<compile_context>
chip_gen: v7x
topology: tpu7x:2x2x1
jax: 0.10.2.dev20260603
libtpu: 0.0.44.dev20260713+nightly
codegen_flags: <defaults>
</compile_context>

<pallas_src>
import functools
import numpy as np
import jax
import jax.numpy as jnp
from jax import lax
from jax.experimental import pallas as pl
from jax.experimental.pallas import tpu as pltpu
from jax.experimental.pallas import tpu_sc as plsc

F = 26
D = 16
V = 26000
B = 4096
NC, NS = 2, 16
NW = NC * NS
BPW = B // NW
C = 4
NCH = BPW // C
NPAIR = F * (F - 1) // 2
EPS = 2 * NPAIR
EPC = C * EPS
NSTR = 21
EP = NSTR * 128


def _build_tables():
    pairs = [(i, j) for i in range(F) for j in range(i + 1, F)]
    tb = np.zeros(EP, np.int32)
    tf = np.zeros(EP, np.int32)
    for b in range(C):
        for p, (i, j) in enumerate(pairs):
            e = b * EPS + 2 * p
            tb[e] = b * F + i
            tf[e] = j * V + 1000 * i
            tb[e + 1] = b * F + j
            tf[e + 1] = i * V + 1000 * j
    lbi = np.zeros(C * 32, np.int32)
    loff = np.zeros(C * 32, np.int32)
    for b in range(C):
        for i in range(F):
            lbi[b * 32 + i] = b * F + i
            loff[b * 32 + i] = 1000 * i
    return tb, tf, lbi, loff


_TB, _TF, _LBI, _LOFF = _build_tables()

@functools.cache
def _build_sc_kernel():
    mesh = plsc.VectorSubcoreMesh(core_axis_name="c", subcore_axis_name="s",
                                  num_cores=NC, num_subcores=NS)
    return functools.partial(
        pl.kernel,
        out_type=jax.ShapeDtypeStruct((B,), jnp.float32),
        mesh=mesh,
        compiler_params=pltpu.CompilerParams(needs_layout_passes=False,
                                             use_tc_tiling_on_sc=False),
        scratch_types=[
        pltpu.VMEM((BPW * F,), jnp.int32),
        pltpu.VMEM((EP,), jnp.int32),
        pltpu.VMEM((EP,), jnp.int32),
        pltpu.VMEM((C * 32,), jnp.int32),
        pltpu.VMEM((C * 32,), jnp.int32),
        pltpu.VMEM((NSTR, 128), jnp.int32),
        pltpu.VMEM((EP, D), jnp.float32),
        pltpu.VMEM((C * 32,), jnp.int32),
        pltpu.VMEM((C * 32,), jnp.float32),
        pltpu.VMEM((BPW,), jnp.float32),
        pltpu.VMEM((16,), jnp.float32),
            pltpu.SemaphoreType.DMA,
            pltpu.SemaphoreType.DMA,
        ],
    )(_ffm_body)


def _ffm_body(x_hbm, w_hbm, b_hbm, e_hbm, tb_hbm, tf_hbm, lbi_hbm, loff_hbm,
            out_hbm, x_v, tb_v, tf_v, lbi_v, loff_v, idx_v, rows_v, li_v,
            wv_v, o_v, bias_v, sem, lsem):
    wid = lax.axis_index("s") * NC + lax.axis_index("c")
    base = wid * BPW

    pltpu.sync_copy(x_hbm.at[pl.ds(base * F, BPW * F)], x_v)
    pltpu.sync_copy(tb_hbm, tb_v)
    pltpu.sync_copy(tf_hbm, tf_v)
    pltpu.sync_copy(lbi_hbm, lbi_v)
    pltpu.sync_copy(loff_hbm, loff_v)
    pltpu.sync_copy(b_hbm, bias_v.at[pl.ds(0, 1)])

    lane = lax.iota(jnp.int32, 16)
    lmask = jnp.where(lane < (F - 16), 1.0, 0.0).astype(jnp.float32)
    zero = jnp.zeros((D,), jnp.float32)
    bvec = jnp.where(lane < 1, bias_v[pl.ds(0, 16)], 0.0)

    def chunk_body(c, gv):
        xoff = c * (C * F)

        def gen_body(r, _):
            for kk in range(8):
                s = r * 128 + kk * 16
                bi = tb_v[pl.ds(s, 16)] + xoff
                xv = plsc.load_gather(x_v, [bi])
                idx_v[r, pl.ds(kk * 16, 16)] = xv + tf_v[pl.ds(s, 16)]
            return 0
        lax.fori_loop(0, NSTR, gen_body, 0)

        for kk in range(C * 2):
            s = kk * 16
            bi = lbi_v[pl.ds(s, 16)] + xoff
            xv = plsc.load_gather(x_v, [bi])
            li_v[pl.ds(s, 16)] = xv + loff_v[pl.ds(s, 16)]

        copies = [
            pltpu.async_copy(e_hbm.at[idx_v.at[j]],
                             rows_v.at[pl.ds(j * 128, 128)], sem)
            for j in range(NSTR)
        ]
        lcp = pltpu.async_copy(w_hbm.at[li_v], wv_v, lsem)
        for cp in copies:
            cp.wait()
        lcp.wait()

        def pair_body(p, accs):
            out = []
            for b in range(C):
                e = b * EPS + 2 * p
                out.append(accs[b] + rows_v[e, :] * rows_v[e + 1, :])
            return tuple(out)
        accs = lax.fori_loop(0, NPAIR, pair_body, (zero,) * C)

        for b in range(C):
            w0 = wv_v[pl.ds(b * 32, 16)]
            w1 = wv_v[pl.ds(b * 32 + 16, 16)]
            z = jnp.sum(accs[b] + w0 + w1 * lmask + bvec)
            gv = jnp.where(lane == (c % 4) * C + b, z, gv)

        @pl.when((c % 4) == 3)
        def _store():
            o_v[pl.ds((c // 4) * 16, 16)] = gv

        return jnp.where((c % 4) == 3, zero, gv)

    lax.fori_loop(0, NCH, chunk_body, zero)

    def sig_body(k, _):
        v = o_v[pl.ds(k * 16, 16)]
        o_v[pl.ds(k * 16, 16)] = 1.0 / (1.0 + jnp.exp(-v))
        return 0
    lax.fori_loop(0, BPW // 16, sig_body, 0)

    pltpu.sync_copy(o_v, out_hbm.at[pl.ds(base, BPW)])


def kernel(x, W_lin, bias, E):
    x_flat = x.reshape(-1).astype(jnp.int32)
    w_flat = W_lin.reshape(-1)
    e_flat = E.reshape(F * V, D)
    return _build_sc_kernel()(x_flat, w_flat, bias, e_flat,
                              jnp.asarray(_TB), jnp.asarray(_TF),
                              jnp.asarray(_LBI), jnp.asarray(_LOFF))

# --- scband reference (transcript-rebuilt; emitter-appended) ---
"""Pipeline reference for scband-field-aware-factorization-machine-model-flax-75445395521828 (READ-ONLY COPY).

The authoritative reference and input builder live on the scoring server;
editing this copy changes nothing except your own understanding.
"""

import jax, jax.numpy as jnp
import numpy as np

FIELD_DIMS = np.full(26, 1000, dtype=np.int64)
NUM_FIELDS = 26
EMBED_DIM = 16
SUM_DIMS = int(FIELD_DIMS.sum())
OFFSETS = np.concatenate(([0], np.cumsum(FIELD_DIMS)[:-1])).astype(np.int32)
BATCH = 4096


def setup_inputs(seed: int = 0) -> dict:
    key = jax.random.key(seed)
    k1, k2, k3 = jax.random.split(key, 3)
    # raw per-field indices in [0, vocab_per_field)
    x = jax.random.randint(k1, (BATCH, NUM_FIELDS), 0, 1000)
    # linear embedding table [sum_dims, output_dim=1] + bias
    W_lin = jax.random.normal(k2, (SUM_DIMS, 1), dtype=jnp.float32) * 0.01
    bias = jnp.zeros((1,), dtype=jnp.float32)
    # field-aware embedding tables: one table per field -> [num_fields, sum_dims, embed_dim]
    E = jax.random.normal(k3, (NUM_FIELDS, SUM_DIMS, EMBED_DIM), dtype=jnp.float32) * 0.01
    return {"x": x, "W_lin": W_lin, "bias": bias, "E": E}


def reference(x, W_lin, bias, E):
    # offset each field's raw index into the shared vocabulary
    xo = x + jnp.asarray(OFFSETS)[None, :]  # [B, F]
    # FeaturesLinear: sum of per-field scalar embeddings + bias -> [B, 1]
    linear_term = jnp.sum(jnp.take(W_lin, xo, axis=0), axis=1) + bias
    # FieldAwareFactorizationMachine: xs[f, b, i, :] = E[f][xo[b, i]]
    xs = jnp.take(E, xo, axis=1)  # [F_table, B, F_pos, D]
    ix = []
    for i in range(NUM_FIELDS - 1):
        for j in range(i + 1, NUM_FIELDS):
            ix.append(xs[j, :, i, :] * xs[i, :, j, :])
    ix = jnp.stack(ix, axis=1)  # [B, num_pairs, D]
    ffm_term = jnp.sum(jnp.sum(ix, axis=1), axis=1, keepdims=True)  # [B, 1]
    out = linear_term + ffm_term  # [B, 1]
    return jax.nn.sigmoid(jnp.squeeze(out, axis=1))  # [B]

if __name__ == "__main__":
    import jax
    _d = setup_inputs()
    print(jax.jit(kernel)(*tuple(_d.values())))

</pallas_src>

<mosaic_0001>
#map = affine_map<(d0, d1) -> (0)>
#map1 = affine_map<(d0, d1) -> (0, 0)>
module attributes {stable_mosaic.version = 14 : i64} {
  func.func @_ffm_body(%arg0: i32, %arg1: i32, %arg2: memref<106496xi32, #tpu.memory_space<hbm>>, %arg3: memref<26000xf32, #tpu.memory_space<hbm>>, %arg4: memref<1xf32, #tpu.memory_space<hbm>>, %arg5: memref<676000x16xf32, #tpu.memory_space<hbm>>, %arg6: memref<2688xi32, #tpu.memory_space<hbm>>, %arg7: memref<2688xi32, #tpu.memory_space<hbm>>, %arg8: memref<128xi32, #tpu.memory_space<hbm>>, %arg9: memref<128xi32, #tpu.memory_space<hbm>>, %arg10: memref<4096xf32, #tpu.memory_space<hbm>>, %arg11: memref<3328xi32, #tpu.memory_space<vmem>>, %arg12: memref<2688xi32, #tpu.memory_space<vmem>>, %arg13: memref<2688xi32, #tpu.memory_space<vmem>>, %arg14: memref<128xi32, #tpu.memory_space<vmem>>, %arg15: memref<128xi32, #tpu.memory_space<vmem>>, %arg16: memref<21x128xi32, #tpu.memory_space<vmem>>, %arg17: memref<2688x16xf32, #tpu.memory_space<vmem>>, %arg18: memref<128xi32, #tpu.memory_space<vmem>>, %arg19: memref<128xf32, #tpu.memory_space<vmem>>, %arg20: memref<128xf32, #tpu.memory_space<vmem>>, %arg21: memref<16xf32, #tpu.memory_space<vmem>>, %arg22: memref<!tpu.dma_semaphore, #tpu.memory_space<semaphore_mem>>, %arg23: memref<!tpu.dma_semaphore, #tpu.memory_space<semaphore_mem>>) attributes {dimension_semantics = [#tpu.dimension_semantics<core_parallel>, #tpu.dimension_semantics<subcore_parallel>], iteration_bounds = array<i64: 2, 16>, scalar_prefetch = 0 : i64, scratch_operands = 13 : i64, tpu.core_type = #tpu.core_type<sc_vector_subcore>, window_params = [{transform_indices = #map}, {transform_indices = #map}, {transform_indices = #map}, {transform_indices = #map1}, {transform_indices = #map}, {transform_indices = #map}, {transform_indices = #map}, {transform_indices = #map}, {transform_indices = #map}]} {
    %mul3A = arith.constant 2 : i32
    %mul3A_0 = arith.muli %arg1, %mul3A : i32
    %add3A = arith.addi %mul3A_0, %arg0 : i32
    %mul3A_1 = arith.constant 128 : i32
    %mul3A_2 = arith.muli %add3A, %mul3A_1 : i32
    %mul3A_3 = arith.constant 26 : i32
    %mul3A_4 = arith.muli %mul3A_2, %mul3A_3 : i32
    "tpu.region"() ({
      %run_scoped3A = tpu.sem_alloc : memref<!tpu.dma_semaphore, #tpu.memory_space<semaphore_mem>>
      %dma_start3A = tpu.memref_slice %arg2[%mul3A_4] : memref<106496xi32, #tpu.memory_space<hbm>> -> memref<3328xi32, #tpu.memory_space<hbm>>
      %dma_start3A_30 = tpu.memref_slice %arg2[%mul3A_4] : memref<106496xi32, #tpu.memory_space<hbm>> -> memref<3328xi32, #tpu.memory_space<hbm>>
      tpu.enqueue_dma source(%dma_start3A_30 : memref<3328xi32, #tpu.memory_space<hbm>>) target(%arg11 : memref<3328xi32, #tpu.memory_space<vmem>>) target_semaphore(%run_scoped3A : memref<!tpu.dma_semaphore, #tpu.memory_space<semaphore_mem>>)
      %dma_wait3A = tpu.memref_slice %arg2[%mul3A_4] : memref<106496xi32, #tpu.memory_space<hbm>> -> memref<3328xi32, #tpu.memory_space<hbm>>
      %dma_wait3A_31 = tpu.memref_slice %arg2[%mul3A_4] : memref<106496xi32, #tpu.memory_space<hbm>> -> memref<3328xi32, #tpu.memory_space<hbm>>
      tpu.wait_dma2 semaphore(%run_scoped3A : memref<!tpu.dma_semaphore, #tpu.memory_space<semaphore_mem>>) src(%dma_wait3A_31 : memref<3328xi32, #tpu.memory_space<hbm>>) dst(%arg11 : memref<3328xi32, #tpu.memory_space<vmem>>)
      tpu.yield
    }) : () -> ()
    "tpu.region"() ({
      %run_scoped3A = tpu.sem_alloc : memref<!tpu.dma_semaphore, #tpu.memory_space<semaphore_mem>>
      tpu.enqueue_dma source(%arg6 : memref<2688xi32, #tpu.memory_space<hbm>>) target(%arg12 : memref<2688xi32, #tpu.memory_space<vmem>>) target_semaphore(%run_scoped3A : memref<!tpu.dma_semaphore, #tpu.memory_space<semaphore_mem>>)
      tpu.wait_dma2 semaphore(%run_scoped3A : memref<!tpu.dma_semaphore, #tpu.memory_space<semaphore_mem>>) src(%arg6 : memref<2688xi32, #tpu.memory_space<hbm>>) dst(%arg12 : memref<2688xi32, #tpu.memory_space<vmem>>)
      tpu.yield
    }) : () -> ()
    "tpu.region"() ({
      %run_scoped3A = tpu.sem_alloc : memref<!tpu.dma_semaphore, #tpu.memory_space<semaphore_mem>>
      tpu.enqueue_dma source(%arg7 : memref<2688xi32, #tpu.memory_space<hbm>>) target(%arg13 : memref<2688xi32, #tpu.memory_space<vmem>>) target_semaphore(%run_scoped3A : memref<!tpu.dma_semaphore, #tpu.memory_space<semaphore_mem>>)
      tpu.wait_dma2 semaphore(%run_scoped3A : memref<!tpu.dma_semaphore, #tpu.memory_space<semaphore_mem>>) src(%arg7 : memref<2688xi32, #tpu.memory_space<hbm>>) dst(%arg13 : memref<2688xi32, #tpu.memory_space<vmem>>)
      tpu.yield
    }) : () -> ()
    "tpu.region"() ({
      %run_scoped3A = tpu.sem_alloc : memref<!tpu.dma_semaphore, #tpu.memory_space<semaphore_mem>>
      tpu.enqueue_dma source(%arg8 : memref<128xi32, #tpu.memory_space<hbm>>) target(%arg14 : memref<128xi32, #tpu.memory_space<vmem>>) target_semaphore(%run_scoped3A : memref<!tpu.dma_semaphore, #tpu.memory_space<semaphore_mem>>)
      tpu.wait_dma2 semaphore(%run_scoped3A : memref<!tpu.dma_semaphore, #tpu.memory_space<semaphore_mem>>) src(%arg8 : memref<128xi32, #tpu.memory_space<hbm>>) dst(%arg14 : memref<128xi32, #tpu.memory_space<vmem>>)
      tpu.yield
    }) : () -> ()
    "tpu.region"() ({
      %run_scoped3A = tpu.sem_alloc : memref<!tpu.dma_semaphore, #tpu.memory_space<semaphore_mem>>
      tpu.enqueue_dma source(%arg9 : memref<128xi32, #tpu.memory_space<hbm>>) target(%arg15 : memref<128xi32, #tpu.memory_space<vmem>>) target_semaphore(%run_scoped3A : memref<!tpu.dma_semaphore, #tpu.memory_space<semaphore_mem>>)
      tpu.wait_dma2 semaphore(%run_scoped3A : memref<!tpu.dma_semaphore, #tpu.memory_space<semaphore_mem>>) src(%arg9 : memref<128xi32, #tpu.memory_space<hbm>>) dst(%arg15 : memref<128xi32, #tpu.memory_space<vmem>>)
      tpu.yield
    }) : () -> ()
    "tpu.region"() ({
      %run_scoped3A = tpu.sem_alloc : memref<!tpu.dma_semaphore, #tpu.memory_space<semaphore_mem>>
      %dma_start3A = arith.constant 0 : i32
      %dma_start3A_30 = tpu.memref_slice %arg21[%dma_start3A] : memref<16xf32, #tpu.memory_space<vmem>> -> memref<1xf32, #tpu.memory_space<vmem>>
      %dma_start3A_31 = arith.constant 0 : i32
      %dma_start3A_32 = tpu.memref_slice %arg21[%dma_start3A_31] : memref<16xf32, #tpu.memory_space<vmem>> -> memref<1xf32, #tpu.memory_space<vmem>>
      tpu.enqueue_dma source(%arg4 : memref<1xf32, #tpu.memory_space<hbm>>) target(%dma_start3A_32 : memref<1xf32, #tpu.memory_space<vmem>>) target_semaphore(%run_scoped3A : memref<!tpu.dma_semaphore, #tpu.memory_space<semaphore_mem>>)
      %dma_wait3A = arith.constant 0 : i32
      %dma_wait3A_33 = tpu.memref_slice %arg21[%dma_wait3A] : memref<16xf32, #tpu.memory_space<vmem>> -> memref<1xf32, #tpu.memory_space<vmem>>
      %dma_wait3A_34 = arith.constant 0 : i32
      %dma_wait3A_35 = tpu.memref_slice %arg21[%dma_wait3A_34] : memref<16xf32, #tpu.memory_space<vmem>> -> memref<1xf32, #tpu.memory_space<vmem>>
      tpu.wait_dma2 semaphore(%run_scoped3A : memref<!tpu.dma_semaphore, #tpu.memory_space<semaphore_mem>>) src(%arg4 : memref<1xf32, #tpu.memory_space<hbm>>) dst(%dma_wait3A_35 : memref<1xf32, #tpu.memory_space<vmem>>)
      tpu.yield
    }) : () -> ()
    %iota3A = tpu.iota {dimensions = array<i32: 0>} : vector<16xi32>
    %lt3A = arith.constant 10 : i32
    %lt3A_5 = vector.broadcast %lt3A : i32 to vector<16xi32>
    %lt3A_6 = arith.cmpi slt, %iota3A, %lt3A_5 : vector<16xi32>
    %jit3A = arith.constant 1.000000e+00 : f32
    %jit3A_7 = arith.constant 0.000000e+00 : f32
    %broadcast_in_dim3A = vector.broadcast %jit3A : f32 to vector<16xf32>
    %broadcast_in_dim3A_8 = vector.broadcast %jit3A_7 : f32 to vector<16xf32>
    %select_n3A = arith.select %lt3A_6, %broadcast_in_dim3A, %broadcast_in_dim3A_8 : vector<16xi1>, vector<16xf32>
    %broadcast_in_dim3A_9 = arith.constant 0.000000e+00 : f32
    %broadcast_in_dim3A_10 = vector.broadcast %broadcast_in_dim3A_9 : f32 to vector<16xf32>
    %lt3A_11 = arith.constant 1 : i32
    %lt3A_12 = vector.broadcast %lt3A_11 : i32 to vector<16xi32>
    %lt3A_13 = arith.cmpi slt, %iota3A, %lt3A_12 : vector<16xi32>
    %get3A = arith.constant 0 : index
    %get3A_14 = tpu.vector_load %arg21[%get3A] {strides = array<i32>} : memref<16xf32, #tpu.memory_space<vmem>>, vector<16xf32>,
    %jit3A_15 = arith.constant 0.000000e+00 : f32
    %broadcast_in_dim3A_16 = vector.broadcast %jit3A_15 : f32 to vector<16xf32>
    %select_n3A_17 = arith.select %lt3A_13, %get3A_14, %broadcast_in_dim3A_16 : vector<16xi1>, vector<16xf32>
    %scan3A = arith.constant 0 : i32
    %scan3A_18 = arith.constant 32 : i32
    %scan3A_19 = arith.addi %scan3A, %scan3A_18 : i32
    %scan3A_20 = arith.constant 1 : i32
    %scan3A_21 = scf.for %scan3A_30 = %scan3A to %scan3A_19 step %scan3A_20 iter_args(%scan3A_31 = %broadcast_in_dim3A_10) -> (vector<16xf32>)  : i32 {
      %mul3A_32 = arith.constant 104 : i32
      %mul3A_33 = arith.muli %scan3A_30, %mul3A_32 : i32
      %scan3A_34 = arith.constant 0 : i32
      %scan3A_35 = arith.constant 0 : i32
      %scan3A_36 = arith.constant 21 : i32
      %scan3A_37 = arith.addi %scan3A_35, %scan3A_36 : i32
      %scan3A_38 = arith.constant 1 : i32
      %scan3A_39 = scf.for %scan3A_724 = %scan3A_35 to %scan3A_37 step %scan3A_38 iter_args(%scan3A_725 = %scan3A_34) -> (i32)  : i32 {
        %mul3A_726 = arith.constant 128 : i32
        %mul3A_727 = arith.muli %scan3A_724, %mul3A_726 : i32
        %add3A_728 = arith.constant 0 : i32
        %add3A_729 = arith.addi %mul3A_727, %add3A_728 : i32
        %get3A_730 = arith.index_cast %add3A_729 : i32 to index
        %get3A_731 = tpu.vector_load %arg12[%get3A_730] {strides = array<i32>} : memref<2688xi32, #tpu.memory_space<vmem>>, vector<16xi32>,
        %add3A_732 = vector.broadcast %mul3A_33 : i32 to vector<16xi32>
        %add3A_733 = arith.addi %get3A_731, %add3A_732 : vector<16xi32>
        %gather3A_734 = tpu.vector_load_idx %arg11[%add3A_733] : memref<3328xi32, #tpu.memory_space<vmem>>[vector<16xi32>], vector<16xi32>,
        %get3A_735 = arith.index_cast %add3A_729 : i32 to index
        %get3A_736 = tpu.vector_load %arg13[%get3A_735] {strides = array<i32>} : memref<2688xi32, #tpu.memory_space<vmem>>, vector<16xi32>,
        %add3A_737 = arith.addi %gather3A_734, %get3A_736 : vector<16xi32>
        %swap3A_738 = arith.index_cast %scan3A_724 : i32 to index
        %swap3A_739 = arith.constant 0 : index
        %swap3A_740 = tpu.vector_load %arg16[%swap3A_738, %swap3A_739] {strides = array<i32>} : memref<21x128xi32, #tpu.memory_space<vmem>>, vector<16xi32>,
        tpu.vector_store %arg16[%swap3A_738, %swap3A_739], %add3A_737 {strides = array<i32>} : memref<21x128xi32, #tpu.memory_space<vmem>>, vector<16xi32>,
        %mul3A_741 = arith.constant 128 : i32
        %mul3A_742 = arith.muli %scan3A_724, %mul3A_741 : i32
        %add3A_743 = arith.constant 16 : i32
        %add3A_744 = arith.addi %mul3A_742, %add3A_743 : i32
        %get3A_745 = arith.index_cast %add3A_744 : i32 to index
        %get3A_746 = tpu.vector_load %arg12[%get3A_745] {strides = array<i32>} : memref<2688xi32, #tpu.memory_space<vmem>>, vector<16xi32>,
        %add3A_747 = vector.broadcast %mul3A_33 : i32 to vector<16xi32>
        %add3A_748 = arith.addi %get3A_746, %add3A_747 : vector<16xi32>
        %gather3A_749 = tpu.vector_load_idx %arg11[%add3A_748] : memref<3328xi32, #tpu.memory_space<vmem>>[vector<16xi32>], vector<16xi32>,
        %get3A_750 = arith.index_cast %add3A_744 : i32 to index
        %get3A_751 = tpu.vector_load %arg13[%get3A_750] {strides = array<i32>} : memref<2688xi32, #tpu.memory_space<vmem>>, vector<16xi32>,
        %add3A_752 = arith.addi %gather3A_749, %get3A_751 : vector<16xi32>
        %swap3A_753 = arith.index_cast %scan3A_724 : i32 to index
        %swap3A_754 = arith.constant 16 : index
        %swap3A_755 = tpu.vector_load %arg16[%swap3A_753, %swap3A_754] {strides = array<i32>} : memref<21x128xi32, #tpu.memory_space<vmem>>, vector<16xi32>,
        tpu.vector_store %arg16[%swap3A_753, %swap3A_754], %add3A_752 {strides = array<i32>} : memref<21x128xi32, #tpu.memory_space<vmem>>, vector<16xi32>,
        %mul3A_756 = arith.constant 128 : i32
        %mul3A_757 = arith.muli %scan3A_724, %mul3A_756 : i32
        %add3A_758 = arith.constant 32 : i32
        %add3A_759 = arith.addi %mul3A_757, %add3A_758 : i32
        %get3A_760 = arith.index_cast %add3A_759 : i32 to index
        %get3A_761 = tpu.vector_load %arg12[%get3A_760] {strides = array<i32>} : memref<2688xi32, #tpu.memory_space<vmem>>, vector<16xi32>,
        %add3A_762 = vector.broadcast %mul3A_33 : i32 to vector<16xi32>
        %add3A_763 = arith.addi %get3A_761, %add3A_762 : vector<16xi32>
        %gather3A_764 = tpu.vector_load_idx %arg11[%add3A_763] : memref<3328xi32, #tpu.memory_space<vmem>>[vector<16xi32>], vector<16xi32>,
        %get3A_765 = arith.index_cast %add3A_759 : i32 to index
        %get3A_766 = tpu.vector_load %arg13[%get3A_765] {strides = array<i32>} : memref<2688xi32, #tpu.memory_space<vmem>>, vector<16xi32>,
        %add3A_767 = arith.addi %gather3A_764, %get3A_766 : vector<16xi32>
        %swap3A_768 = arith.index_cast %scan3A_724 : i32 to index
        %swap3A_769 = arith.constant 32 : index
        %swap3A_770 = tpu.vector_load %arg16[%swap3A_768, %swap3A_769] {strides = array<i32>} : memref<21x128xi32, #tpu.memory_space<vmem>>, vector<16xi32>,
        tpu.vector_store %arg16[%swap3A_768, %swap3A_769], %add3A_767 {strides = array<i32>} : memref<21x128xi32, #tpu.memory_space<vmem>>, vector<16xi32>,
        %mul3A_771 = arith.constant 128 : i32
        %mul3A_772 = arith.muli %scan3A_724, %mul3A_771 : i32
        %add3A_773 = arith.constant 48 : i32
        %add3A_774 = arith.addi %mul3A_772, %add3A_773 : i32
        %get3A_775 = arith.index_cast %add3A_774 : i32 to index
        %get3A_776 = tpu.vector_load %arg12[%get3A_775] {strides = array<i32>} : memref<2688xi32, #tpu.memory_space<vmem>>, vector<16xi32>,
        %add3A_777 = vector.broadcast %mul3A_33 : i32 to vector<16xi32>
        %add3A_778 = arith.addi %get3A_776, %add3A_777 : vector<16xi32>
        %gather3A_779 = tpu.vector_load_idx %arg11[%add3A_778] : memref<3328xi32, #tpu.memory_space<vmem>>[vector<16xi32>], vector<16xi32>,
        %get3A_780 = arith.index_cast %add3A_774 : i32 to index
        %get3A_781 = tpu.vector_load %arg13[%get3A_780] {strides = array<i32>} : memref<2688xi32, #tpu.memory_space<vmem>>, vector<16xi32>,
        %add3A_782 = arith.addi %gather3A_779, %get3A_781 : vector<16xi32>
        %swap3A_783 = arith.index_cast %scan3A_724 : i32 to index
        %swap3A_784 = arith.constant 48 : index
        %swap3A_785 = tpu.vector_load %arg16[%swap3A_783, %swap3A_784] {strides = array<i32>} : memref<21x128xi32, #tpu.memory_space<vmem>>, vector<16xi32>,
        tpu.vector_store %arg16[%swap3A_783, %swap3A_784], %add3A_782 {strides = array<i32>} : memref<21x128xi32, #tpu.memory_space<vmem>>, vector<16xi32>,
        %mul3A_786 = arith.constant 128 : i32
        %mul3A_787 = arith.muli %scan3A_724, %mul3A_786 : i32
        %add3A_788 = arith.constant 64 : i32
        %add3A_789 = arith.addi %mul3A_787, %add3A_788 : i32
        %get3A_790 = arith.index_cast %add3A_789 : i32 to index
        %get3A_791 = tpu.vector_load %arg12[%get3A_790] {strides = array<i32>} : memref<2688xi32, #tpu.memory_space<vmem>>, vector<16xi32>,
        %add3A_792 = vector.broadcast %mul3A_33 : i32 to vector<16xi32>
        %add3A_793 = arith.addi %get3A_791, %add3A_792 : vector<16xi32>
        %gather3A_794 = tpu.vector_load_idx %arg11[%add3A_793] : memref<3328xi32, #tpu.memory_space<vmem>>[vector<16xi32>], vector<16xi32>,
        %get3A_795 = arith.index_cast %add3A_789 : i32 to index
        %get3A_796 = tpu.vector_load %arg13[%get3A_795] {strides = array<i32>} : memref<2688xi32, #tpu.memory_space<vmem>>, vector<16xi32>,
        %add3A_797 = arith.addi %gather3A_794, %get3A_796 : vector<16xi32>
        %swap3A_798 = arith.index_cast %scan3A_724 : i32 to index
        %swap3A_799 = arith.constant 64 : index
        %swap3A_800 = tpu.vector_load %arg16[%swap3A_798, %swap3A_799] {strides = array<i32>} : memref<21x128xi32, #tpu.memory_space<vmem>>, vector<16xi32>,
        tpu.vector_store %arg16[%swap3A_798, %swap3A_799], %add3A_797 {strides = array<i32>} : memref<21x128xi32, #tpu.memory_space<vmem>>, vector<16xi32>,
        %mul3A_801 = arith.constant 128 : i32
        %mul3A_802 = arith.muli %scan3A_724, %mul3A_801 : i32
        %add3A_803 = arith.constant 80 : i32
        %add3A_804 = arith.addi %mul3A_802, %add3A_803 : i32
        %get3A_805 = arith.index_cast %add3A_804 : i32 to index
        %get3A_806 = tpu.vector_load %arg12[%get3A_805] {strides = array<i32>} : memref<2688xi32, #tpu.memory_space<vmem>>, vector<16xi32>,
        %add3A_807 = vector.broadcast %mul3A_33 : i32 to vector<16xi32>
        %add3A_808 = arith.addi %get3A_806, %add3A_807 : vector<16xi32>
        %gather3A_809 = tpu.vector_load_idx %arg11[%add3A_808] : memref<3328xi32, #tpu.memory_space<vmem>>[vector<16xi32>], vector<16xi32>,
        %get3A_810 = arith.index_cast %add3A_804 : i32 to index
        %get3A_811 = tpu.vector_load %arg13[%get3A_810] {strides = array<i32>} : memref<2688xi32, #tpu.memory_space<vmem>>, vector<16xi32>,
        %add3A_812 = arith.addi %gather3A_809, %get3A_811 : vector<16xi32>
        %swap3A_813 = arith.index_cast %scan3A_724 : i32 to index
        %swap3A_814 = arith.constant 80 : index
        %swap3A_815 = tpu.vector_load %arg16[%swap3A_813, %swap3A_814] {strides = array<i32>} : memref<21x128xi32, #tpu.memory_space<vmem>>, vector<16xi32>,
        tpu.vector_store %arg16[%swap3A_813, %swap3A_814], %add3A_812 {strides = array<i32>} : memref<21x128xi32, #tpu.memory_space<vmem>>, vector<16xi32>,
        %mul3A_816 = arith.constant 128 : i32
        %mul3A_817 = arith.muli %scan3A_724, %mul3A_816 : i32
        %add3A_818 = arith.constant 96 : i32
        %add3A_819 = arith.addi %mul3A_817, %add3A_818 : i32
        %get3A_820 = arith.index_cast %add3A_819 : i32 to index
        %get3A_821 = tpu.vector_load %arg12[%get3A_820] {strides = array<i32>} : memref<2688xi32, #tpu.memory_space<vmem>>, vector<16xi32>,
        %add3A_822 = vector.broadcast %mul3A_33 : i32 to vector<16xi32>
        %add3A_823 = arith.addi %get3A_821, %add3A_822 : vector<16xi32>
        %gather3A_824 = tpu.vector_load_idx %arg11[%add3A_823] : memref<3328xi32, #tpu.memory_space<vmem>>[vector<16xi32>], vector<16xi32>,
        %get3A_825 = arith.index_cast %add3A_819 : i32 to index
        %get3A_826 = tpu.vector_load %arg13[%get3A_825] {strides = array<i32>} : memref<2688xi32, #tpu.memory_space<vmem>>, vector<16xi32>,
        %add3A_827 = arith.addi %gather3A_824, %get3A_826 : vector<16xi32>
        %swap3A_828 = arith.index_cast %scan3A_724 : i32 to index
        %swap3A_829 = arith.constant 96 : index
        %swap3A_830 = tpu.vector_load %arg16[%swap3A_828, %swap3A_829] {strides = array<i32>} : memref<21x128xi32, #tpu.memory_space<vmem>>, vector<16xi32>,
        tpu.vector_store %arg16[%swap3A_828, %swap3A_829], %add3A_827 {strides = array<i32>} : memref<21x128xi32, #tpu.memory_space<vmem>>, vector<16xi32>,
        %mul3A_831 = arith.constant 128 : i32
        %mul3A_832 = arith.muli %scan3A_724, %mul3A_831 : i32
        %add3A_833 = arith.constant 112 : i32
        %add3A_834 = arith.addi %mul3A_832, %add3A_833 : i32
        %get3A_835 = arith.index_cast %add3A_834 : i32 to index
        %get3A_836 = tpu.vector_load %arg12[%get3A_835] {strides = array<i32>} : memref<2688xi32, #tpu.memory_space<vmem>>, vector<16xi32>,
        %add3A_837 = vector.broadcast %mul3A_33 : i32 to vector<16xi32>
        %add3A_838 = arith.addi %get3A_836, %add3A_837 : vector<16xi32>
        %gather3A_839 = tpu.vector_load_idx %arg11[%add3A_838] : memref<3328xi32, #tpu.memory_space<vmem>>[vector<16xi32>], vector<16xi32>,
        %get3A_840 = arith.index_cast %add3A_834 : i32 to index
        %get3A_841 = tpu.vector_load %arg13[%get3A_840] {strides = array<i32>} : memref<2688xi32, #tpu.memory_space<vmem>>, vector<16xi32>,
        %add3A_842 = arith.addi %gather3A_839, %get3A_841 : vector<16xi32>
        %swap3A_843 = arith.index_cast %scan3A_724 : i32 to index
        %swap3A_844 = arith.constant 112 : index
        %swap3A_845 = tpu.vector_load %arg16[%swap3A_843, %swap3A_844] {strides = array<i32>} : memref<21x128xi32, #tpu.memory_space<vmem>>, vector<16xi32>,
        tpu.vector_store %arg16[%swap3A_843, %swap3A_844], %add3A_842 {strides = array<i32>} : memref<21x128xi32, #tpu.memory_space<vmem>>, vector<16xi32>,
        %scan3A_846 = arith.constant 0 : i32
        scf.yield %scan3A_846 : i32
      }
      %scan3A_40 = arith.constant 21 : i32
      %get3A_41 = arith.constant 0 : index
      %get3A_42 = tpu.vector_load %arg14[%get3A_41] {strides = array<i32>} : memref<128xi32, #tpu.memory_space<vmem>>, vector<16xi32>,
      %add3A_43 = vector.broadcast %mul3A_33 : i32 to vector<16xi32>
      %add3A_44 = arith.addi %get3A_42, %add3A_43 : vector<16xi32>
      %gather3A = tpu.vector_load_idx %arg11[%add3A_44] : memref<3328xi32, #tpu.memory_space<vmem>>[vector<16xi32>], vector<16xi32>,
      %get3A_45 = arith.constant 0 : index
      %get3A_46 = tpu.vector_load %arg15[%get3A_45] {strides = array<i32>} : memref<128xi32, #tpu.memory_space<vmem>>, vector<16xi32>,
      %add3A_47 = arith.addi %gather3A, %get3A_46 : vector<16xi32>
      %swap3A = arith.constant 0 : index
      %swap3A_48 = tpu.vector_load %arg18[%swap3A] {strides = array<i32>} : memref<128xi32, #tpu.memory_space<vmem>>, vector<16xi32>,
      tpu.vector_store %arg18[%swap3A], %add3A_47 {strides = array<i32>} : memref<128xi32, #tpu.memory_space<vmem>>, vector<16xi32>,
      %get3A_49 = arith.constant 16 : index
      %get3A_50 = tpu.vector_load %arg14[%get3A_49] {strides = array<i32>} : memref<128xi32, #tpu.memory_space<vmem>>, vector<16xi32>,
      %add3A_51 = vector.broadcast %mul3A_33 : i32 to vector<16xi32>
      %add3A_52 = arith.addi %get3A_50, %add3A_51 : vector<16xi32>
      %gather3A_53 = tpu.vector_load_idx %arg11[%add3A_52] : memref<3328xi32, #tpu.memory_space<vmem>>[vector<16xi32>], vector<16xi32>,
      %get3A_54 = arith.constant 16 : index
      %get3A_55 = tpu.vector_load %arg15[%get3A_54] {strides = array<i32>} : memref<128xi32, #tpu.memory_space<vmem>>, vector<16xi32>,
      %add3A_56 = arith.addi %gather3A_53, %get3A_55 : vector<16xi32>
      %swap3A_57 = arith.constant 16 : index
      %swap3A_58 = tpu.vector_load %arg18[%swap3A_57] {strides = array<i32>} : memref<128xi32, #tpu.memory_space<vmem>>, vector<16xi32>,
      tpu.vector_store %arg18[%swap3A_57], %add3A_56 {strides = array<i32>} : memref<128xi32, #tpu.memory_space<vmem>>, vector<16xi32>,
      %get3A_59 = arith.constant 32 : index
      %get3A_60 = tpu.vector_load %arg14[%get3A_59] {strides = array<i32>} : memref<128xi32, #tpu.memory_space<vmem>>, vector<16xi32>,
      %add3A_61 = vector.broadcast %mul3A_33 : i32 to vector<16xi32>
      %add3A_62 = arith.addi %get3A_60, %add3A_61 : vector<16xi32>
      %gather3A_63 = tpu.vector_load_idx %arg11[%add3A_62] : memref<3328xi32, #tpu.memory_space<vmem>>[vector<16xi32>], vector<16xi32>,
      %get3A_64 = arith.constant 32 : index
      %get3A_65 = tpu.vector_load %arg15[%get3A_64] {strides = array<i32>} : memref<128xi32, #tpu.memory_space<vmem>>, vector<16xi32>,
      %add3A_66 = arith.addi %gather3A_63, %get3A_65 : vector<16xi32>
      %swap3A_67 = arith.constant 32 : index
      %swap3A_68 = tpu.vector_load %arg18[%swap3A_67] {strides = array<i32>} : memref<128xi32, #tpu.memory_space<vmem>>, vector<16xi32>,
      tpu.vector_store %arg18[%swap3A_67], %add3A_66 {strides = array<i32>} : memref<128xi32, #tpu.memory_space<vmem>>, vector<16xi32>,
      %get3A_69 = arith.constant 48 : index
      %get3A_70 = tpu.vector_load %arg14[%get3A_69] {strides = array<i32>} : memref<128xi32, #tpu.memory_space<vmem>>, vector<16xi32>,
      %add3A_71 = vector.broadcast %mul3A_33 : i32 to vector<16xi32>
      %add3A_72 = arith.addi %get3A_70, %add3A_71 : vector<16xi32>
      %gather3A_73 = tpu.vector_load_idx %arg11[%add3A_72] : memref<3328xi32, #tpu.memory_space<vmem>>[vector<16xi32>], vector<16xi32>,
      %get3A_74 = arith.constant 48 : index
      %get3A_75 = tpu.vector_load %arg15[%get3A_74] {strides = array<i32>} : memref<128xi32, #tpu.memory_space<vmem>>, vector<16xi32>,
      %add3A_76 = arith.addi %gather3A_73, %get3A_75 : vector<16xi32>
      %swap3A_77 = arith.constant 48 : index
      %swap3A_78 = tpu.vector_load %arg18[%swap3A_77] {strides = array<i32>} : memref<128xi32, #tpu.memory_space<vmem>>, vector<16xi32>,
      tpu.vector_store %arg18[%swap3A_77], %add3A_76 {strides = array<i32>} : memref<128xi32, #tpu.memory_space<vmem>>, vector<16xi32>,
      %get3A_79 = arith.constant 64 : index
      %get3A_80 = tpu.vector_load %arg14[%get3A_79] {strides = array<i32>} : memref<128xi32, #tpu.memory_space<vmem>>, vector<16xi32>,
      %add3A_81 = vector.broadcast %mul3A_33 : i32 to vector<16xi32>
      %add3A_82 = arith.addi %get3A_80, %add3A_81 : vector<16xi32>
      %gather3A_83 = tpu.vector_load_idx %arg11[%add3A_82] : memref<3328xi32, #tpu.memory_space<vmem>>[vector<16xi32>], vector<16xi32>,
      %get3A_84 = arith.constant 64 : index
      %get3A_85 = tpu.vector_load %arg15[%get3A_84] {strides = array<i32>} : memref<128xi32, #tpu.memory_space<vmem>>, vector<16xi32>,
      %add3A_86 = arith.addi %gather3A_83, %get3A_85 : vector<16xi32>
      %swap3A_87 = arith.constant 64 : index
      %swap3A_88 = tpu.vector_load %arg18[%swap3A_87] {strides = array<i32>} : memref<128xi32, #tpu.memory_space<vmem>>, vector<16xi32>,
      tpu.vector_store %arg18[%swap3A_87], %add3A_86 {strides = array<i32>} : memref<128xi32, #tpu.memory_space<vmem>>, vector<16xi32>,
      %get3A_89 = arith.constant 80 : index
      %get3A_90 = tpu.vector_load %arg14[%get3A_89] {strides = array<i32>} : memref<128xi32, #tpu.memory_space<vmem>>, vector<16xi32>,
      %add3A_91 = vector.broadcast %mul3A_33 : i32 to vector<16xi32>
      %add3A_92 = arith.addi %get3A_90, %add3A_91 : vector<16xi32>
      %gather3A_93 = tpu.vector_load_idx %arg11[%add3A_92] : memref<3328xi32, #tpu.memory_space<vmem>>[vector<16xi32>], vector<16xi32>,
      %get3A_94 = arith.constant 80 : index
      %get3A_95 = tpu.vector_load %arg15[%get3A_94] {strides = array<i32>} : memref<128xi32, #tpu.memory_space<vmem>>, vector<16xi32>,
      %add3A_96 = arith.addi %gather3A_93, %get3A_95 : vector<16xi32>
      %swap3A_97 = arith.constant 80 : index
      %swap3A_98 = tpu.vector_load %arg18[%swap3A_97] {strides = array<i32>} : memref<128xi32, #tpu.memory_space<vmem>>, vector<16xi32>,
      tpu.vector_store %arg18[%swap3A_97], %add3A_96 {strides = array<i32>} : memref<128xi32, #tpu.memory_space<vmem>>, vector<16xi32>,
      %get3A_99 = arith.constant 96 : index
      %get3A_100 = tpu.vector_load %arg14[%get3A_99] {strides = array<i32>} : memref<128xi32, #tpu.memory_space<vmem>>, vector<16xi32>,
      %add3A_101 = vector.broadcast %mul3A_33 : i32 to vector<16xi32>
      %add3A_102 = arith.addi %get3A_100, %add3A_101 : vector<16xi32>
      %gather3A_103 = tpu.vector_load_idx %arg11[%add3A_102] : memref<3328xi32, #tpu.memory_space<vmem>>[vector<16xi32>], vector<16xi32>,
      %get3A_104 = arith.constant 96 : index
      %get3A_105 = tpu.vector_load %arg15[%get3A_104] {strides = array<i32>} : memref<128xi32, #tpu.memory_space<vmem>>, vector<16xi32>,
      %add3A_106 = arith.addi %gather3A_103, %get3A_105 : vector<16xi32>
      %swap3A_107 = arith.constant 96 : index
      %swap3A_108 = tpu.vector_load %arg18[%swap3A_107] {strides = array<i32>} : memref<128xi32, #tpu.memory_space<vmem>>, vector<16xi32>,
      tpu.vector_store %arg18[%swap3A_107], %add3A_106 {strides = array<i32>} : memref<128xi32, #tpu.memory_space<vmem>>, vector<16xi32>,
      %get3A_109 = arith.constant 112 : index
      %get3A_110 = tpu.vector_load %arg14[%get3A_109] {strides = array<i32>} : memref<128xi32, #tpu.memory_space<vmem>>, vector<16xi32>,
      %add3A_111 = vector.broadcast %mul3A_33 : i32 to vector<16xi32>
      %add3A_112 = arith.addi %get3A_110, %add3A_111 : vector<16xi32>
      %gather3A_113 = tpu.vector_load_idx %arg11[%add3A_112] : memref<3328xi32, #tpu.memory_space<vmem>>[vector<16xi32>], vector<16xi32>,
      %get3A_114 = arith.constant 112 : index
      %get3A_115 = tpu.vector_load %arg15[%get3A_114] {strides = array<i32>} : memref<128xi32, #tpu.memory_space<vmem>>, vector<16xi32>,
      %add3A_116 = arith.addi %gather3A_113, %get3A_115 : vector<16xi32>
      %swap3A_117 = arith.constant 112 : index
      %swap3A_118 = tpu.vector_load %arg18[%swap3A_117] {strides = array<i32>} : memref<128xi32, #tpu.memory_space<vmem>>, vector<16xi32>,
      tpu.vector_store %arg18[%swap3A_117], %add3A_116 {strides = array<i32>} : memref<128xi32, #tpu.memory_space<vmem>>, vector<16xi32>,
      %dma_start3A = arith.constant 0 : i32
      %dma_start3A_119 = arith.constant 0 : i32
      %dma_start3A_120 = arith.constant 0 : i32
      %dma_start3A_121 = tpu.memref_slice %arg17[%dma_start3A_119, %dma_start3A_120] : memref<2688x16xf32, #tpu.memory_space<vmem>> -> memref<128x16xf32, #tpu.memory_space<vmem>>
      %dma_start3A_122 = arith.constant 0 : i32
      %dma_start3A_123 = tpu.memref_slice %arg16[%dma_start3A, %dma_start3A_122] : memref<21x128xi32, #tpu.memory_space<vmem>> -> memref<1x128xi32, #tpu.memory_space<vmem>>
      %dma_start3A_124 = tpu.memref_squeeze %dma_start3A_123 : memref<1x128xi32, #tpu.memory_space<vmem>> -> memref<128xi32, #tpu.memory_space<vmem>>
      %dma_start3A_125 = arith.constant 0 : i32
      %dma_start3A_126 = arith.constant 0 : i32
      %dma_start3A_127 = tpu.memref_slice %arg5[%dma_start3A_125, %dma_start3A_126] : memref<676000x16xf32, #tpu.memory_space<hbm>> -> memref<676000x16xf32, #tpu.memory_space<hbm>>
      tpu.enqueue_indirect_dma source(%dma_start3A_127 : memref<676000x16xf32, #tpu.memory_space<hbm>>) target(%dma_start3A_121 : memref<128x16xf32, #tpu.memory_space<vmem>>) offsets(%dma_start3A_124 : memref<128xi32, #tpu.memory_space<vmem>>) semaphore(%arg22 : memref<!tpu.dma_semaphore, #tpu.memory_space<semaphore_mem>>)
      %dma_start3A_128 = arith.constant 1 : i32
      %dma_start3A_129 = arith.constant 128 : i32
      %dma_start3A_130 = arith.constant 0 : i32
      %dma_start3A_131 = tpu.memref_slice %arg17[%dma_start3A_129, %dma_start3A_130] : memref<2688x16xf32, #tpu.memory_space<vmem>> -> memref<128x16xf32, #tpu.memory_space<vmem>>
      %dma_start3A_132 = arith.constant 0 : i32
      %dma_start3A_133 = tpu.memref_slice %arg16[%dma_start3A_128, %dma_start3A_132] : memref<21x128xi32, #tpu.memory_space<vmem>> -> memref<1x128xi32, #tpu.memory_space<vmem>>
      %dma_start3A_134 = tpu.memref_squeeze %dma_start3A_133 : memref<1x128xi32, #tpu.memory_space<vmem>> -> memref<128xi32, #tpu.memory_space<vmem>>
      %dma_start3A_135 = arith.constant 0 : i32
      %dma_start3A_136 = arith.constant 0 : i32
      %dma_start3A_137 = tpu.memref_slice %arg5[%dma_start3A_135, %dma_start3A_136] : memref<676000x16xf32, #tpu.memory_space<hbm>> -> memref<676000x16xf32, #tpu.memory_space<hbm>>
      tpu.enqueue_indirect_dma source(%dma_start3A_137 : memref<676000x16xf32, #tpu.memory_space<hbm>>) target(%dma_start3A_131 : memref<128x16xf32, #tpu.memory_space<vmem>>) offsets(%dma_start3A_134 : memref<128xi32, #tpu.memory_space<vmem>>) semaphore(%arg22 : memref<!tpu.dma_semaphore, #tpu.memory_space<semaphore_mem>>)
      %dma_start3A_138 = arith.constant 2 : i32
      %dma_start3A_139 = arith.constant 256 : i32
      %dma_start3A_140 = arith.constant 0 : i32
      %dma_start3A_141 = tpu.memref_slice %arg17[%dma_start3A_139, %dma_start3A_140] : memref<2688x16xf32, #tpu.memory_space<vmem>> -> memref<128x16xf32, #tpu.memory_space<vmem>>
      %dma_start3A_142 = arith.constant 0 : i32
      %dma_start3A_143 = tpu.memref_slice %arg16[%dma_start3A_138, %dma_start3A_142] : memref<21x128xi32, #tpu.memory_space<vmem>> -> memref<1x128xi32, #tpu.memory_space<vmem>>
      %dma_start3A_144 = tpu.memref_squeeze %dma_start3A_143 : memref<1x128xi32, #tpu.memory_space<vmem>> -> memref<128xi32, #tpu.memory_space<vmem>>
      %dma_start3A_145 = arith.constant 0 : i32
      %dma_start3A_146 = arith.constant 0 : i32
      %dma_start3A_147 = tpu.memref_slice %arg5[%dma_start3A_145, %dma_start3A_146] : memref<676000x16xf32, #tpu.memory_space<hbm>> -> memref<676000x16xf32, #tpu.memory_space<hbm>>
      tpu.enqueue_indirect_dma source(%dma_start3A_147 : memref<676000x16xf32, #tpu.memory_space<hbm>>) target(%dma_start3A_141 : memref<128x16xf32, #tpu.memory_space<vmem>>) offsets(%dma_start3A_144 : memref<128xi32, #tpu.memory_space<vmem>>) semaphore(%arg22 : memref<!tpu.dma_semaphore, #tpu.memory_space<semaphore_mem>>)
      %dma_start3A_148 = arith.constant 3 : i32
      %dma_start3A_149 = arith.constant 384 : i32
      %dma_start3A_150 = arith.constant 0 : i32
      %dma_start3A_151 = tpu.memref_slice %arg17[%dma_start3A_149, %dma_start3A_150] : memref<2688x16xf32, #tpu.memory_space<vmem>> -> memref<128x16xf32, #tpu.memory_space<vmem>>
      %dma_start3A_152 = arith.constant 0 : i32
      %dma_start3A_153 = tpu.memref_slice %arg16[%dma_start3A_148, %dma_start3A_152] : memref<21x128xi32, #tpu.memory_space<vmem>> -> memref<1x128xi32, #tpu.memory_space<vmem>>
      %dma_start3A_154 = tpu.memref_squeeze %dma_start3A_153 : memref<1x128xi32, #tpu.memory_space<vmem>> -> memref<128xi32, #tpu.memory_space<vmem>>
      %dma_start3A_155 = arith.constant 0 : i32
      %dma_start3A_156 = arith.constant 0 : i32
      %dma_start3A_157 = tpu.memref_slice %arg5[%dma_start3A_155, %dma_start3A_156] : memref<676000x16xf32, #tpu.memory_space<hbm>> -> memref<676000x16xf32, #tpu.memory_space<hbm>>
      tpu.enqueue_indirect_dma source(%dma_start3A_157 : memref<676000x16xf32, #tpu.memory_space<hbm>>) target(%dma_start3A_151 : memref<128x16xf32, #tpu.memory_space<vmem>>) offsets(%dma_start3A_154 : memref<128xi32, #tpu.memory_space<vmem>>) semaphore(%arg22 : memref<!tpu.dma_semaphore, #tpu.memory_space<semaphore_mem>>)
      %dma_start3A_158 = arith.constant 4 : i32
      %dma_start3A_159 = arith.constant 512 : i32
      %dma_start3A_160 = arith.constant 0 : i32
      %dma_start3A_161 = tpu.memref_slice %arg17[%dma_start3A_159, %dma_start3A_160] : memref<2688x16xf32, #tpu.memory_space<vmem>> -> memref<128x16xf32, #tpu.memory_space<vmem>>
      %dma_start3A_162 = arith.constant 0 : i32
      %dma_start3A_163 = tpu.memref_slice %arg16[%dma_start3A_158, %dma_start3A_162] : memref<21x128xi32, #tpu.memory_space<vmem>> -> memref<1x128xi32, #tpu.memory_space<vmem>>
      %dma_start3A_164 = tpu.memref_squeeze %dma_start3A_163 : memref<1x128xi32, #tpu.memory_space<vmem>> -> memref<128xi32, #tpu.memory_space<vmem>>
      %dma_start3A_165 = arith.constant 0 : i32
      %dma_start3A_166 = arith.constant 0 : i32
      %dma_start3A_167 = tpu.memref_slice %arg5[%dma_start3A_165, %dma_start3A_166] : memref<676000x16xf32, #tpu.memory_space<hbm>> -> memref<676000x16xf32, #tpu.memory_space<hbm>>
      tpu.enqueue_indirect_dma source(%dma_start3A_167 : memref<676000x16xf32, #tpu.memory_space<hbm>>) target(%dma_start3A_161 : memref<128x16xf32, #tpu.memory_space<vmem>>) offsets(%dma_start3A_164 : memref<128xi32, #tpu.memory_space<vmem>>) semaphore(%arg22 : memref<!tpu.dma_semaphore, #tpu.memory_space<semaphore_mem>>)
      %dma_start3A_168 = arith.constant 5 : i32
      %dma_start3A_169 = arith.constant 640 : i32
      %dma_start3A_170 = arith.constant 0 : i32
      %dma_start3A_171 = tpu.memref_slice %arg17[%dma_start3A_169, %dma_start3A_170] : memref<2688x16xf32, #tpu.memory_space<vmem>> -> memref<128x16xf32, #tpu.memory_space<vmem>>
      %dma_start3A_172 = arith.constant 0 : i32
      %dma_start3A_173 = tpu.memref_slice %arg16[%dma_start3A_168, %dma_start3A_172] : memref<21x128xi32, #tpu.memory_space<vmem>> -> memref<1x128xi32, #tpu.memory_space<vmem>>
      %dma_start3A_174 = tpu.memref_squeeze %dma_start3A_173 : memref<1x128xi32, #tpu.memory_space<vmem>> -> memref<128xi32, #tpu.memory_space<vmem>>
      %dma_start3A_175 = arith.constant 0 : i32
      %dma_start3A_176 = arith.constant 0 : i32
      %dma_start3A_177 = tpu.memref_slice %arg5[%dma_start3A_175, %dma_start3A_176] : memref<676000x16xf32, #tpu.memory_space<hbm>> -> memref<676000x16xf32, #tpu.memory_space<hbm>>
      tpu.enqueue_indirect_dma source(%dma_start3A_177 : memref<676000x16xf32, #tpu.memory_space<hbm>>) target(%dma_start3A_171 : memref<128x16xf32, #tpu.memory_space<vmem>>) offsets(%dma_start3A_174 : memref<128xi32, #tpu.memory_space<vmem>>) semaphore(%arg22 : memref<!tpu.dma_semaphore, #tpu.memory_space<semaphore_mem>>)
      %dma_start3A_178 = arith.constant 6 : i32
      %dma_start3A_179 = arith.constant 768 : i32
      %dma_start3A_180 = arith.constant 0 : i32
      %dma_start3A_181 = tpu.memref_slice %arg17[%dma_start3A_179, %dma_start3A_180] : memref<2688x16xf32, #tpu.memory_space<vmem>> -> memref<128x16xf32, #tpu.memory_space<vmem>>
      %dma_start3A_182 = arith.constant 0 : i32
      %dma_start3A_183 = tpu.memref_slice %arg16[%dma_start3A_178, %dma_start3A_182] : memref<21x128xi32, #tpu.memory_space<vmem>> -> memref<1x128xi32, #tpu.memory_space<vmem>>
      %dma_start3A_184 = tpu.memref_squeeze %dma_start3A_183 : memref<1x128xi32, #tpu.memory_space<vmem>> -> memref<128xi32, #tpu.memory_space<vmem>>
      %dma_start3A_185 = arith.constant 0 : i32
      %dma_start3A_186 = arith.constant 0 : i32
      %dma_start3A_187 = tpu.memref_slice %arg5[%dma_start3A_185, %dma_start3A_186] : memref<676000x16xf32, #tpu.memory_space<hbm>> -> memref<676000x16xf32, #tpu.memory_space<hbm>>
      tpu.enqueue_indirect_dma source(%dma_start3A_187 : memref<676000x16xf32, #tpu.memory_space<hbm>>) target(%dma_start3A_181 : memref<128x16xf32, #tpu.memory_space<vmem>>) offsets(%dma_start3A_184 : memref<128xi32, #tpu.memory_space<vmem>>) semaphore(%arg22 : memref<!tpu.dma_semaphore, #tpu.memory_space<semaphore_mem>>)
      %dma_start3A_188 = arith.constant 7 : i32
      %dma_start3A_189 = arith.constant 896 : i32
      %dma_start3A_190 = arith.constant 0 : i32
      %dma_start3A_191 = tpu.memref_slice %arg17[%dma_start3A_189, %dma_start3A_190] : memref<2688x16xf32, #tpu.memory_space<vmem>> -> memref<128x16xf32, #tpu.memory_space<vmem>>
      %dma_start3A_192 = arith.constant 0 : i32
      %dma_start3A_193 = tpu.memref_slice %arg16[%dma_start3A_188, %dma_start3A_192] : memref<21x128xi32, #tpu.memory_space<vmem>> -> memref<1x128xi32, #tpu.memory_space<vmem>>
      %dma_start3A_194 = tpu.memref_squeeze %dma_start3A_193 : memref<1x128xi32, #tpu.memory_space<vmem>> -> memref<128xi32, #tpu.memory_space<vmem>>
      %dma_start3A_195 = arith.constant 0 : i32
      %dma_start3A_196 = arith.constant 0 : i32
      %dma_start3A_197 = tpu.memref_slice %arg5[%dma_start3A_195, %dma_start3A_196] : memref<676000x16xf32, #tpu.memory_space<hbm>> -> memref<676000x16xf32, #tpu.memory_space<hbm>>
      tpu.enqueue_indirect_dma source(%dma_start3A_197 : memref<676000x16xf32, #tpu.memory_space<hbm>>) target(%dma_start3A_191 : memref<128x16xf32, #tpu.memory_space<vmem>>) offsets(%dma_start3A_194 : memref<128xi32, #tpu.memory_space<vmem>>) semaphore(%arg22 : memref<!tpu.dma_semaphore, #tpu.memory_space<semaphore_mem>>)
      %dma_start3A_198 = arith.constant 8 : i32
      %dma_start3A_199 = arith.constant 1024 : i32
      %dma_start3A_200 = arith.constant 0 : i32
      %dma_start3A_201 = tpu.memref_slice %arg17[%dma_start3A_199, %dma_start3A_200] : memref<2688x16xf32, #tpu.memory_space<vmem>> -> memref<128x16xf32, #tpu.memory_space<vmem>>
      %dma_start3A_202 = arith.constant 0 : i32
      %dma_start3A_203 = tpu.memref_slice %arg16[%dma_start3A_198, %dma_start3A_202] : memref<21x128xi32, #tpu.memory_space<vmem>> -> memref<1x128xi32, #tpu.memory_space<vmem>>
      %dma_start3A_204 = tpu.memref_squeeze %dma_start3A_203 : memref<1x128xi32, #tpu.memory_space<vmem>> -> memref<128xi32, #tpu.memory_space<vmem>>
      %dma_start3A_205 = arith.constant 0 : i32
      %dma_start3A_206 = arith.constant 0 : i32
      %dma_start3A_207 = tpu.memref_slice %arg5[%dma_start3A_205, %dma_start3A_206] : memref<676000x16xf32, #tpu.memory_space<hbm>> -> memref<676000x16xf32, #tpu.memory_space<hbm>>
      tpu.enqueue_indirect_dma source(%dma_start3A_207 : memref<676000x16xf32, #tpu.memory_space<hbm>>) target(%dma_start3A_201 : memref<128x16xf32, #tpu.memory_space<vmem>>) offsets(%dma_start3A_204 : memref<128xi32, #tpu.memory_space<vmem>>) semaphore(%arg22 : memref<!tpu.dma_semaphore, #tpu.memory_space<semaphore_mem>>)
      %dma_start3A_208 = arith.constant 9 : i32
      %dma_start3A_209 = arith.constant 1152 : i32
      %dma_start3A_210 = arith.constant 0 : i32
      %dma_start3A_211 = tpu.memref_slice %arg17[%dma_start3A_209, %dma_start3A_210] : memref<2688x16xf32, #tpu.memory_space<vmem>> -> memref<128x16xf32, #tpu.memory_space<vmem>>
      %dma_start3A_212 = arith.constant 0 : i32
      %dma_start3A_213 = tpu.memref_slice %arg16[%dma_start3A_208, %dma_start3A_212] : memref<21x128xi32, #tpu.memory_space<vmem>> -> memref<1x128xi32, #tpu.memory_space<vmem>>
      %dma_start3A_214 = tpu.memref_squeeze %dma_start3A_213 : memref<1x128xi32, #tpu.memory_space<vmem>> -> memref<128xi32, #tpu.memory_space<vmem>>
      %dma_start3A_215 = arith.constant 0 : i32
      %dma_start3A_216 = arith.constant 0 : i32
      %dma_start3A_217 = tpu.memref_slice %arg5[%dma_start3A_215, %dma_start3A_216] : memref<676000x16xf32, #tpu.memory_space<hbm>> -> memref<676000x16xf32, #tpu.memory_space<hbm>>
      tpu.enqueue_indirect_dma source(%dma_start3A_217 : memref<676000x16xf32, #tpu.memory_space<hbm>>) target(%dma_start3A_211 : memref<128x16xf32, #tpu.memory_space<vmem>>) offsets(%dma_start3A_214 : memref<128xi32, #tpu.memory_space<vmem>>) semaphore(%arg22 : memref<!tpu.dma_semaphore, #tpu.memory_space<semaphore_mem>>)
      %dma_start3A_218 = arith.constant 10 : i32
      %dma_start3A_219 = arith.constant 1280 : i32
      %dma_start3A_220 = arith.constant 0 : i32
      %dma_start3A_221 = tpu.memref_slice %arg17[%dma_start3A_219, %dma_start3A_220] : memref<2688x16xf32, #tpu.memory_space<vmem>> -> memref<128x16xf32, #tpu.memory_space<vmem>>
      %dma_start3A_222 = arith.constant 0 : i32
      %dma_start3A_223 = tpu.memref_slice %arg16[%dma_start3A_218, %dma_start3A_222] : memref<21x128xi32, #tpu.memory_space<vmem>> -> memref<1x128xi32, #tpu.memory_space<vmem>>
      %dma_start3A_224 = tpu.memref_squeeze %dma_start3A_223 : memref<1x128xi32, #tpu.memory_space<vmem>> -> memref<128xi32, #tpu.memory_space<vmem>>
      %dma_start3A_225 = arith.constant 0 : i32
      %dma_start3A_226 = arith.constant 0 : i32
      %dma_start3A_227 = tpu.memref_slice %arg5[%dma_start3A_225, %dma_start3A_226] : memref<676000x16xf32, #tpu.memory_space<hbm>> -> memref<676000x16xf32, #tpu.memory_space<hbm>>
      tpu.enqueue_indirect_dma source(%dma_start3A_227 : memref<676000x16xf32, #tpu.memory_space<hbm>>) target(%dma_start3A_221 : memref<128x16xf32, #tpu.memory_space<vmem>>) offsets(%dma_start3A_224 : memref<128xi32, #tpu.memory_space<vmem>>) semaphore(%arg22 : memref<!tpu.dma_semaphore, #tpu.memory_space<semaphore_mem>>)
      %dma_start3A_228 = arith.constant 11 : i32
      %dma_start3A_229 = arith.constant 1408 : i32
      %dma_start3A_230 = arith.constant 0 : i32
      %dma_start3A_231 = tpu.memref_slice %arg17[%dma_start3A_229, %dma_start3A_230] : memref<2688x16xf32, #tpu.memory_space<vmem>> -> memref<128x16xf32, #tpu.memory_space<vmem>>
      %dma_start3A_232 = arith.constant 0 : i32
      %dma_start3A_233 = tpu.memref_slice %arg16[%dma_start3A_228, %dma_start3A_232] : memref<21x128xi32, #tpu.memory_space<vmem>> -> memref<1x128xi32, #tpu.memory_space<vmem>>
      %dma_start3A_234 = tpu.memref_squeeze %dma_start3A_233 : memref<1x128xi32, #tpu.memory_space<vmem>> -> memref<128xi32, #tpu.memory_space<vmem>>
      %dma_start3A_235 = arith.constant 0 : i32
      %dma_start3A_236 = arith.constant 0 : i32
      %dma_start3A_237 = tpu.memref_slice %arg5[%dma_start3A_235, %dma_start3A_236] : memref<676000x16xf32, #tpu.memory_space<hbm>> -> memref<676000x16xf32, #tpu.memory_space<hbm>>
      tpu.enqueue_indirect_dma source(%dma_start3A_237 : memref<676000x16xf32, #tpu.memory_space<hbm>>) target(%dma_start3A_231 : memref<128x16xf32, #tpu.memory_space<vmem>>) offsets(%dma_start3A_234 : memref<128xi32, #tpu.memory_space<vmem>>) semaphore(%arg22 : memref<!tpu.dma_semaphore, #tpu.memory_space<semaphore_mem>>)
      %dma_start3A_238 = arith.constant 12 : i32
      %dma_start3A_239 = arith.constant 1536 : i32
      %dma_start3A_240 = arith.constant 0 : i32
      %dma_start3A_241 = tpu.memref_slice %arg17[%dma_start3A_239, %dma_start3A_240] : memref<2688x16xf32, #tpu.memory_space<vmem>> -> memref<128x16xf32, #tpu.memory_space<vmem>>
      %dma_start3A_242 = arith.constant 0 : i32
      %dma_start3A_243 = tpu.memref_slice %arg16[%dma_start3A_238, %dma_start3A_242] : memref<21x128xi32, #tpu.memory_space<vmem>> -> memref<1x128xi32, #tpu.memory_space<vmem>>
      %dma_start3A_244 = tpu.memref_squeeze %dma_start3A_243 : memref<1x128xi32, #tpu.memory_space<vmem>> -> memref<128xi32, #tpu.memory_space<vmem>>
      %dma_start3A_245 = arith.constant 0 : i32
      %dma_start3A_246 = arith.constant 0 : i32
      %dma_start3A_247 = tpu.memref_slice %arg5[%dma_start3A_245, %dma_start3A_246] : memref<676000x16xf32, #tpu.memory_space<hbm>> -> memref<676000x16xf32, #tpu.memory_space<hbm>>
      tpu.enqueue_indirect_dma source(%dma_start3A_247 : memref<676000x16xf32, #tpu.memory_space<hbm>>) target(%dma_start3A_241 : memref<128x16xf32, #tpu.memory_space<vmem>>) offsets(%dma_start3A_244 : memref<128xi32, #tpu.memory_space<vmem>>) semaphore(%arg22 : memref<!tpu.dma_semaphore, #tpu.memory_space<semaphore_mem>>)
      %dma_start3A_248 = arith.constant 13 : i32
      %dma_start3A_249 = arith.constant 1664 : i32
      %dma_start3A_250 = arith.constant 0 : i32
      %dma_start3A_251 = tpu.memref_slice %arg17[%dma_start3A_249, %dma_start3A_250] : memref<2688x16xf32, #tpu.memory_space<vmem>> -> memref<128x16xf32, #tpu.memory_space<vmem>>
      %dma_start3A_252 = arith.constant 0 : i32
      %dma_start3A_253 = tpu.memref_slice %arg16[%dma_start3A_248, %dma_start3A_252] : memref<21x128xi32, #tpu.memory_space<vmem>> -> memref<1x128xi32, #tpu.memory_space<vmem>>
      %dma_start3A_254 = tpu.memref_squeeze %dma_start3A_253 : memref<1x128xi32, #tpu.memory_space<vmem>> -> memref<128xi32, #tpu.memory_space<vmem>>
      %dma_start3A_255 = arith.constant 0 : i32
      %dma_start3A_256 = arith.constant 0 : i32
      %dma_start3A_257 = tpu.memref_slice %arg5[%dma_start3A_255, %dma_start3A_256] : memref<676000x16xf32, #tpu.memory_space<hbm>> -> memref<676000x16xf32, #tpu.memory_space<hbm>>
      tpu.enqueue_indirect_dma source(%dma_start3A_257 : memref<676000x16xf32, #tpu.memory_space<hbm>>) target(%dma_start3A_251 : memref<128x16xf32, #tpu.memory_space<vmem>>) offsets(%dma_start3A_254 : memref<128xi32, #tpu.memory_space<vmem>>) semaphore(%arg22 : memref<!tpu.dma_semaphore, #tpu.memory_space<semaphore_mem>>)
      %dma_start3A_258 = arith.constant 14 : i32
      %dma_start3A_259 = arith.constant 1792 : i32
      %dma_start3A_260 = arith.constant 0 : i32
      %dma_start3A_261 = tpu.memref_slice %arg17[%dma_start3A_259, %dma_start3A_260] : memref<2688x16xf32, #tpu.memory_space<vmem>> -> memref<128x16xf32, #tpu.memory_space<vmem>>
      %dma_start3A_262 = arith.constant 0 : i32
      %dma_start3A_263 = tpu.memref_slice %arg16[%dma_start3A_258, %dma_start3A_262] : memref<21x128xi32, #tpu.memory_space<vmem>> -> memref<1x128xi32, #tpu.memory_space<vmem>>
      %dma_start3A_264 = tpu.memref_squeeze %dma_start3A_263 : memref<1x128xi32, #tpu.memory_space<vmem>> -> memref<128xi32, #tpu.memory_space<vmem>>
      %dma_start3A_265 = arith.constant 0 : i32
      %dma_start3A_266 = arith.constant 0 : i32
      %dma_start3A_267 = tpu.memref_slice %arg5[%dma_start3A_265, %dma_start3A_266] : memref<676000x16xf32, #tpu.memory_space<hbm>> -> memref<676000x16xf32, #tpu.memory_space<hbm>>
      tpu.enqueue_indirect_dma source(%dma_start3A_267 : memref<676000x16xf32, #tpu.memory_space<hbm>>) target(%dma_start3A_261 : memref<128x16xf32, #tpu.memory_space<vmem>>) offsets(%dma_start3A_264 : memref<128xi32, #tpu.memory_space<vmem>>) semaphore(%arg22 : memref<!tpu.dma_semaphore, #tpu.memory_space<semaphore_mem>>)
      %dma_start3A_268 = arith.constant 15 : i32
      %dma_start3A_269 = arith.constant 1920 : i32
      %dma_start3A_270 = arith.constant 0 : i32
      %dma_start3A_271 = tpu.memref_slice %arg17[%dma_start3A_269, %dma_start3A_270] : memref<2688x16xf32, #tpu.memory_space<vmem>> -> memref<128x16xf32, #tpu.memory_space<vmem>>
      %dma_start3A_272 = arith.constant 0 : i32
      %dma_start3A_273 = tpu.memref_slice %arg16[%dma_start3A_268, %dma_start3A_272] : memref<21x128xi32, #tpu.memory_space<vmem>> -> memref<1x128xi32, #tpu.memory_space<vmem>>
      %dma_start3A_274 = tpu.memref_squeeze %dma_start3A_273 : memref<1x128xi32, #tpu.memory_space<vmem>> -> memref<128xi32, #tpu.memory_space<vmem>>
      %dma_start3A_275 = arith.constant 0 : i32
      %dma_start3A_276 = arith.constant 0 : i32
      %dma_start3A_277 = tpu.memref_slice %arg5[%dma_start3A_275, %dma_start3A_276] : memref<676000x16xf32, #tpu.memory_space<hbm>> -> memref<676000x16xf32, #tpu.memory_space<hbm>>
      tpu.enqueue_indirect_dma source(%dma_start3A_277 : memref<676000x16xf32, #tpu.memory_space<hbm>>) target(%dma_start3A_271 : memref<128x16xf32, #tpu.memory_space<vmem>>) offsets(%dma_start3A_274 : memref<128xi32, #tpu.memory_space<vmem>>) semaphore(%arg22 : memref<!tpu.dma_semaphore, #tpu.memory_space<semaphore_mem>>)
      %dma_start3A_278 = arith.constant 16 : i32
      %dma_start3A_279 = arith.constant 2048 : i32
      %dma_start3A_280 = arith.constant 0 : i32
      %dma_start3A_281 = tpu.memref_slice %arg17[%dma_start3A_279, %dma_start3A_280] : memref<2688x16xf32, #tpu.memory_space<vmem>> -> memref<128x16xf32, #tpu.memory_space<vmem>>
      %dma_start3A_282 = arith.constant 0 : i32
      %dma_start3A_283 = tpu.memref_slice %arg16[%dma_start3A_278, %dma_start3A_282] : memref<21x128xi32, #tpu.memory_space<vmem>> -> memref<1x128xi32, #tpu.memory_space<vmem>>
      %dma_start3A_284 = tpu.memref_squeeze %dma_start3A_283 : memref<1x128xi32, #tpu.memory_space<vmem>> -> memref<128xi32, #tpu.memory_space<vmem>>
      %dma_start3A_285 = arith.constant 0 : i32
      %dma_start3A_286 = arith.constant 0 : i32
      %dma_start3A_287 = tpu.memref_slice %arg5[%dma_start3A_285, %dma_start3A_286] : memref<676000x16xf32, #tpu.memory_space<hbm>> -> memref<676000x16xf32, #tpu.memory_space<hbm>>
      tpu.enqueue_indirect_dma source(%dma_start3A_287 : memref<676000x16xf32, #tpu.memory_space<hbm>>) target(%dma_start3A_281 : memref<128x16xf32, #tpu.memory_space<vmem>>) offsets(%dma_start3A_284 : memref<128xi32, #tpu.memory_space<vmem>>) semaphore(%arg22 : memref<!tpu.dma_semaphore, #tpu.memory_space<semaphore_mem>>)
      %dma_start3A_288 = arith.constant 17 : i32
      %dma_start3A_289 = arith.constant 2176 : i32
      %dma_start3A_290 = arith.constant 0 : i32
      %dma_start3A_291 = tpu.memref_slice %arg17[%dma_start3A_289, %dma_start3A_290] : memref<2688x16xf32, #tpu.memory_space<vmem>> -> memref<128x16xf32, #tpu.memory_space<vmem>>
      %dma_start3A_292 = arith.constant 0 : i32
      %dma_start3A_293 = tpu.memref_slice %arg16[%dma_start3A_288, %dma_start3A_292] : memref<21x128xi32, #tpu.memory_space<vmem>> -> memref<1x128xi32, #tpu.memory_space<vmem>>
      %dma_start3A_294 = tpu.memref_squeeze %dma_start3A_293 : memref<1x128xi32, #tpu.memory_space<vmem>> -> memref<128xi32, #tpu.memory_space<vmem>>
      %dma_start3A_295 = arith.constant 0 : i32
      %dma_start3A_296 = arith.constant 0 : i32
      %dma_start3A_297 = tpu.memref_slice %arg5[%dma_start3A_295, %dma_start3A_296] : memref<676000x16xf32, #tpu.memory_space<hbm>> -> memref<676000x16xf32, #tpu.memory_space<hbm>>
      tpu.enqueue_indirect_dma source(%dma_start3A_297 : memref<676000x16xf32, #tpu.memory_space<hbm>>) target(%dma_start3A_291 : memref<128x16xf32, #tpu.memory_space<vmem>>) offsets(%dma_start3A_294 : memref<128xi32, #tpu.memory_space<vmem>>) semaphore(%arg22 : memref<!tpu.dma_semaphore, #tpu.memory_space<semaphore_mem>>)
      %dma_start3A_298 = arith.constant 18 : i32
      %dma_start3A_299 = arith.constant 2304 : i32
      %dma_start3A_300 = arith.constant 0 : i32
      %dma_start3A_301 = tpu.memref_slice %arg17[%dma_start3A_299, %dma_start3A_300] : memref<2688x16xf32, #tpu.memory_space<vmem>> -> memref<128x16xf32, #tpu.memory_space<vmem>>
      %dma_start3A_302 = arith.constant 0 : i32
      %dma_start3A_303 = tpu.memref_slice %arg16[%dma_start3A_298, %dma_start3A_302] : memref<21x128xi32, #tpu.memory_space<vmem>> -> memref<1x128xi32, #tpu.memory_space<vmem>>
      %dma_start3A_304 = tpu.memref_squeeze %dma_start3A_303 : memref<1x128xi32, #tpu.memory_space<vmem>> -> memref<128xi32, #tpu.memory_space<vmem>>
      %dma_start3A_305 = arith.constant 0 : i32
      %dma_start3A_306 = arith.constant 0 : i32
      %dma_start3A_307 = tpu.memref_slice %arg5[%dma_start3A_305, %dma_start3A_306] : memref<676000x16xf32, #tpu.memory_space<hbm>> -> memref<676000x16xf32, #tpu.memory_space<hbm>>
      tpu.enqueue_indirect_dma source(%dma_start3A_307 : memref<676000x16xf32, #tpu.memory_space<hbm>>) target(%dma_start3A_301 : memref<128x16xf32, #tpu.memory_space<vmem>>) offsets(%dma_start3A_304 : memref<128xi32, #tpu.memory_space<vmem>>) semaphore(%arg22 : memref<!tpu.dma_semaphore, #tpu.memory_space<semaphore_mem>>)
      %dma_start3A_308 = arith.constant 19 : i32
      %dma_start3A_309 = arith.constant 2432 : i32
      %dma_start3A_310 = arith.constant 0 : i32
      %dma_start3A_311 = tpu.memref_slice %arg17[%dma_start3A_309, %dma_start3A_310] : memref<2688x16xf32, #tpu.memory_space<vmem>> -> memref<128x16xf32, #tpu.memory_space<vmem>>
      %dma_start3A_312 = arith.constant 0 : i32
      %dma_start3A_313 = tpu.memref_slice %arg16[%dma_start3A_308, %dma_start3A_312] : memref<21x128xi32, #tpu.memory_space<vmem>> -> memref<1x128xi32, #tpu.memory_space<vmem>>
      %dma_start3A_314 = tpu.memref_squeeze %dma_start3A_313 : memref<1x128xi32, #tpu.memory_space<vmem>> -> memref<128xi32, #tpu.memory_space<vmem>>
      %dma_start3A_315 = arith.constant 0 : i32
      %dma_start3A_316 = arith.constant 0 : i32
      %dma_start3A_317 = tpu.memref_slice %arg5[%dma_start3A_315, %dma_start3A_316] : memref<676000x16xf32, #tpu.memory_space<hbm>> -> memref<676000x16xf32, #tpu.memory_space<hbm>>
      tpu.enqueue_indirect_dma source(%dma_start3A_317 : memref<676000x16xf32, #tpu.memory_space<hbm>>) target(%dma_start3A_311 : memref<128x16xf32, #tpu.memory_space<vmem>>) offsets(%dma_start3A_314 : memref<128xi32, #tpu.memory_space<vmem>>) semaphore(%arg22 : memref<!tpu.dma_semaphore, #tpu.memory_space<semaphore_mem>>)
      %dma_start3A_318 = arith.constant 20 : i32
      %dma_start3A_319 = arith.constant 2560 : i32
      %dma_start3A_320 = arith.constant 0 : i32
      %dma_start3A_321 = tpu.memref_slice %arg17[%dma_start3A_319, %dma_start3A_320] : memref<2688x16xf32, #tpu.memory_space<vmem>> -> memref<128x16xf32, #tpu.memory_space<vmem>>
      %dma_start3A_322 = arith.constant 0 : i32
      %dma_start3A_323 = tpu.memref_slice %arg16[%dma_start3A_318, %dma_start3A_322] : memref<21x128xi32, #tpu.memory_space<vmem>> -> memref<1x128xi32, #tpu.memory_space<vmem>>
      %dma_start3A_324 = tpu.memref_squeeze %dma_start3A_323 : memref<1x128xi32, #tpu.memory_space<vmem>> -> memref<128xi32, #tpu.memory_space<vmem>>
      %dma_start3A_325 = arith.constant 0 : i32
      %dma_start3A_326 = arith.constant 0 : i32
      %dma_start3A_327 = tpu.memref_slice %arg5[%dma_start3A_325, %dma_start3A_326] : memref<676000x16xf32, #tpu.memory_space<hbm>> -> memref<676000x16xf32, #tpu.memory_space<hbm>>
      tpu.enqueue_indirect_dma source(%dma_start3A_327 : memref<676000x16xf32, #tpu.memory_space<hbm>>) target(%dma_start3A_321 : memref<128x16xf32, #tpu.memory_space<vmem>>) offsets(%dma_start3A_324 : memref<128xi32, #tpu.memory_space<vmem>>) semaphore(%arg22 : memref<!tpu.dma_semaphore, #tpu.memory_space<semaphore_mem>>)
      %dma_start3A_328 = arith.constant 0 : i32
      %dma_start3A_329 = tpu.memref_slice %arg3[%dma_start3A_328] : memref<26000xf32, #tpu.memory_space<hbm>> -> memref<26000xf32, #tpu.memory_space<hbm>>
      tpu.enqueue_indirect_dma source(%dma_start3A_329 : memref<26000xf32, #tpu.memory_space<hbm>>) target(%arg19 : memref<128xf32, #tpu.memory_space<vmem>>) offsets(%arg18 : memref<128xi32, #tpu.memory_space<vmem>>) semaphore(%arg23 : memref<!tpu.dma_semaphore, #tpu.memory_space<semaphore_mem>>)
      %dma_wait3A = arith.constant 0 : i32
      %dma_wait3A_330 = arith.constant 0 : i32
      %dma_wait3A_331 = arith.constant 0 : i32
      %dma_wait3A_332 = tpu.memref_slice %arg17[%dma_wait3A_330, %dma_wait3A_331] : memref<2688x16xf32, #tpu.memory_space<vmem>> -> memref<128x16xf32, #tpu.memory_space<vmem>>
      %dma_wait3A_333 = arith.constant 0 : i32
      %dma_wait3A_334 = tpu.memref_slice %arg16[%dma_wait3A, %dma_wait3A_333] : memref<21x128xi32, #tpu.memory_space<vmem>> -> memref<1x128xi32, #tpu.memory_space<vmem>>
      %dma_wait3A_335 = tpu.memref_squeeze %dma_wait3A_334 : memref<1x128xi32, #tpu.memory_space<vmem>> -> memref<128xi32, #tpu.memory_space<vmem>>
      %dma_wait3A_336 = arith.constant 0 : i32
      %dma_wait3A_337 = arith.constant 0 : i32
      %dma_wait3A_338 = tpu.memref_slice %arg5[%dma_wait3A_336, %dma_wait3A_337] : memref<676000x16xf32, #tpu.memory_space<hbm>> -> memref<676000x16xf32, #tpu.memory_space<hbm>>
      tpu.wait_indirect_dma semaphore(%arg22 : memref<!tpu.dma_semaphore, #tpu.memory_space<semaphore_mem>>) src(%dma_wait3A_338 : memref<676000x16xf32, #tpu.memory_space<hbm>>) dst(%dma_wait3A_332 : memref<128x16xf32, #tpu.memory_space<vmem>>)
      %dma_wait3A_339 = arith.constant 1 : i32
      %dma_wait3A_340 = arith.constant 128 : i32
      %dma_wait3A_341 = arith.constant 0 : i32
      %dma_wait3A_342 = tpu.memref_slice %arg17[%dma_wait3A_340, %dma_wait3A_341] : memref<2688x16xf32, #tpu.memory_space<vmem>> -> memref<128x16xf32, #tpu.memory_space<vmem>>
      %dma_wait3A_343 = arith.constant 0 : i32
      %dma_wait3A_344 = tpu.memref_slice %arg16[%dma_wait3A_339, %dma_wait3A_343] : memref<21x128xi32, #tpu.memory_space<vmem>> -> memref<1x128xi32, #tpu.memory_space<vmem>>
      %dma_wait3A_345 = tpu.memref_squeeze %dma_wait3A_344 : memref<1x128xi32, #tpu.memory_space<vmem>> -> memref<128xi32, #tpu.memory_space<vmem>>
      %dma_wait3A_346 = arith.constant 0 : i32
      %dma_wait3A_347 = arith.constant 0 : i32
      %dma_wait3A_348 = tpu.memref_slice %arg5[%dma_wait3A_346, %dma_wait3A_347] : memref<676000x16xf32, #tpu.memory_space<hbm>> -> memref<676000x16xf32, #tpu.memory_space<hbm>>
      tpu.wait_indirect_dma semaphore(%arg22 : memref<!tpu.dma_semaphore, #tpu.memory_space<semaphore_mem>>) src(%dma_wait3A_348 : memref<676000x16xf32, #tpu.memory_space<hbm>>) dst(%dma_wait3A_342 : memref<128x16xf32, #tpu.memory_space<vmem>>)
      %dma_wait3A_349 = arith.constant 2 : i32
      %dma_wait3A_350 = arith.constant 256 : i32
      %dma_wait3A_351 = arith.constant 0 : i32
      %dma_wait3A_352 = tpu.memref_slice %arg17[%dma_wait3A_350, %dma_wait3A_351] : memref<2688x16xf32, #tpu.memory_space<vmem>> -> memref<128x16xf32, #tpu.memory_space<vmem>>
      %dma_wait3A_353 = arith.constant 0 : i32
      %dma_wait3A_354 = tpu.memref_slice %arg16[%dma_wait3A_349, %dma_wait3A_353] : memref<21x128xi32, #tpu.memory_space<vmem>> -> memref<1x128xi32, #tpu.memory_space<vmem>>
      %dma_wait3A_355 = tpu.memref_squeeze %dma_wait3A_354 : memref<1x128xi32, #tpu.memory_space<vmem>> -> memref<128xi32, #tpu.memory_space<vmem>>
      %dma_wait3A_356 = arith.constant 0 : i32
      %dma_wait3A_357 = arith.constant 0 : i32
      %dma_wait3A_358 = tpu.memref_slice %arg5[%dma_wait3A_356, %dma_wait3A_357] : memref<676000x16xf32, #tpu.memory_space<hbm>> -> memref<676000x16xf32, #tpu.memory_space<hbm>>
      tpu.wait_indirect_dma semaphore(%arg22 : memref<!tpu.dma_semaphore, #tpu.memory_space<semaphore_mem>>) src(%dma_wait3A_358 : memref<676000x16xf32, #tpu.memory_space<hbm>>) dst(%dma_wait3A_352 : memref<128x16xf32, #tpu.memory_space<vmem>>)
      %dma_wait3A_359 = arith.constant 3 : i32
      %dma_wait3A_360 = arith.constant 384 : i32
      %dma_wait3A_361 = arith.constant 0 : i32
      %dma_wait3A_362 = tpu.memref_slice %arg17[%dma_wait3A_360, %dma_wait3A_361] : memref<2688x16xf32, #tpu.memory_space<vmem>> -> memref<128x16xf32, #tpu.memory_space<vmem>>
      %dma_wait3A_363 = arith.constant 0 : i32
      %dma_wait3A_364 = tpu.memref_slice %arg16[%dma_wait3A_359, %dma_wait3A_363] : memref<21x128xi32, #tpu.memory_space<vmem>> -> memref<1x128xi32, #tpu.memory_space<vmem>>
      %dma_wait3A_365 = tpu.memref_squeeze %dma_wait3A_364 : memref<1x128xi32, #tpu.memory_space<vmem>> -> memref<128xi32, #tpu.memory_space<vmem>>
      %dma_wait3A_366 = arith.constant 0 : i32
      %dma_wait3A_367 = arith.constant 0 : i32
      %dma_wait3A_368 = tpu.memref_slice %arg5[%dma_wait3A_366, %dma_wait3A_367] : memref<676000x16xf32, #tpu.memory_space<hbm>> -> memref<676000x16xf32, #tpu.memory_space<hbm>>
      tpu.wait_indirect_dma semaphore(%arg22 : memref<!tpu.dma_semaphore, #tpu.memory_space<semaphore_mem>>) src(%dma_wait3A_368 : memref<676000x16xf32, #tpu.memory_space<hbm>>) dst(%dma_wait3A_362 : memref<128x16xf32, #tpu.memory_space<vmem>>)
      %dma_wait3A_369 = arith.constant 4 : i32
      %dma_wait3A_370 = arith.constant 512 : i32
      %dma_wait3A_371 = arith.constant 0 : i32
      %dma_wait3A_372 = tpu.memref_slice %arg17[%dma_wait3A_370, %dma_wait3A_371] : memref<2688x16xf32, #tpu.memory_space<vmem>> -> memref<128x16xf32, #tpu.memory_space<vmem>>
      %dma_wait3A_373 = arith.constant 0 : i32
      %dma_wait3A_374 = tpu.memref_slice %arg16[%dma_wait3A_369, %dma_wait3A_373] : memref<21x128xi32, #tpu.memory_space<vmem>> -> memref<1x128xi32, #tpu.memory_space<vmem>>
      %dma_wait3A_375 = tpu.memref_squeeze %dma_wait3A_374 : memref<1x128xi32, #tpu.memory_space<vmem>> -> memref<128xi32, #tpu.memory_space<vmem>>
      %dma_wait3A_376 = arith.constant 0 : i32
      %dma_wait3A_377 = arith.constant 0 : i32
      %dma_wait3A_378 = tpu.memref_slice %arg5[%dma_wait3A_376, %dma_wait3A_377] : memref<676000x16xf32, #tpu.memory_space<hbm>> -> memref<676000x16xf32, #tpu.memory_space<hbm>>
      tpu.wait_indirect_dma semaphore(%arg22 : memref<!tpu.dma_semaphore, #tpu.memory_space<semaphore_mem>>) src(%dma_wait3A_378 : memref<676000x16xf32, #tpu.memory_space<hbm>>) dst(%dma_wait3A_372 : memref<128x16xf32, #tpu.memory_space<vmem>>)
      %dma_wait3A_379 = arith.constant 5 : i32
      %dma_wait3A_380 = arith.constant 640 : i32
      %dma_wait3A_381 = arith.constant 0 : i32
      %dma_wait3A_382 = tpu.memref_slice %arg17[%dma_wait3A_380, %dma_wait3A_381] : memref<2688x16xf32, #tpu.memory_space<vmem>> -> memref<128x16xf32, #tpu.memory_space<vmem>>
      %dma_wait3A_383 = arith.constant 0 : i32
      %dma_wait3A_384 = tpu.memref_slice %arg16[%dma_wait3A_379, %dma_wait3A_383] : memref<21x128xi32, #tpu.memory_space<vmem>> -> memref<1x128xi32, #tpu.memory_space<vmem>>
      %dma_wait3A_385 = tpu.memref_squeeze %dma_wait3A_384 : memref<1x128xi32, #tpu.memory_space<vmem>> -> memref<128xi32, #tpu.memory_space<vmem>>
      %dma_wait3A_386 = arith.constant 0 : i32
      %dma_wait3A_387 = arith.constant 0 : i32
      %dma_wait3A_388 = tpu.memref_slice %arg5[%dma_wait3A_386, %dma_wait3A_387] : memref<676000x16xf32, #tpu.memory_space<hbm>> -> memref<676000x16xf32, #tpu.memory_space<hbm>>
      tpu.wait_indirect_dma semaphore(%arg22 : memref<!tpu.dma_semaphore, #tpu.memory_space<semaphore_mem>>) src(%dma_wait3A_388 : memref<676000x16xf32, #tpu.memory_space<hbm>>) dst(%dma_wait3A_382 : memref<128x16xf32, #tpu.memory_space<vmem>>)
      %dma_wait3A_389 = arith.constant 6 : i32
      %dma_wait3A_390 = arith.constant 768 : i32
      %dma_wait3A_391 = arith.constant 0 : i32
      %dma_wait3A_392 = tpu.memref_slice %arg17[%dma_wait3A_390, %dma_wait3A_391] : memref<2688x16xf32, #tpu.memory_space<vmem>> -> memref<128x16xf32, #tpu.memory_space<vmem>>
      %dma_wait3A_393 = arith.constant 0 : i32
      %dma_wait3A_394 = tpu.memref_slice %arg16[%dma_wait3A_389, %dma_wait3A_393] : memref<21x128xi32, #tpu.memory_space<vmem>> -> memref<1x128xi32, #tpu.memory_space<vmem>>
      %dma_wait3A_395 = tpu.memref_squeeze %dma_wait3A_394 : memref<1x128xi32, #tpu.memory_space<vmem>> -> memref<128xi32, #tpu.memory_space<vmem>>
      %dma_wait3A_396 = arith.constant 0 : i32
      %dma_wait3A_397 = arith.constant 0 : i32
      %dma_wait3A_398 = tpu.memref_slice %arg5[%dma_wait3A_396, %dma_wait3A_397] : memref<676000x16xf32, #tpu.memory_space<hbm>> -> memref<676000x16xf32, #tpu.memory_space<hbm>>
      tpu.wait_indirect_dma semaphore(%arg22 : memref<!tpu.dma_semaphore, #tpu.memory_space<semaphore_mem>>) src(%dma_wait3A_398 : memref<676000x16xf32, #tpu.memory_space<hbm>>) dst(%dma_wait3A_392 : memref<128x16xf32, #tpu.memory_space<vmem>>)
      %dma_wait3A_399 = arith.constant 7 : i32
      %dma_wait3A_400 = arith.constant 896 : i32
      %dma_wait3A_401 = arith.constant 0 : i32
      %dma_wait3A_402 = tpu.memref_slice %arg17[%dma_wait3A_400, %dma_wait3A_401] : memref<2688x16xf32, #tpu.memory_space<vmem>> -> memref<128x16xf32, #tpu.memory_space<vmem>>
      %dma_wait3A_403 = arith.constant 0 : i32
      %dma_wait3A_404 = tpu.memref_slice %arg16[%dma_wait3A_399, %dma_wait3A_403] : memref<21x128xi32, #tpu.memory_space<vmem>> -> memref<1x128xi32, #tpu.memory_space<vmem>>
      %dma_wait3A_405 = tpu.memref_squeeze %dma_wait3A_404 : memref<1x128xi32, #tpu.memory_space<vmem>> -> memref<128xi32, #tpu.memory_space<vmem>>
      %dma_wait3A_406 = arith.constant 0 : i32
      %dma_wait3A_407 = arith.constant 0 : i32
      %dma_wait3A_408 = tpu.memref_slice %arg5[%dma_wait3A_406, %dma_wait3A_407] : memref<676000x16xf32, #tpu.memory_space<hbm>> -> memref<676000x16xf32, #tpu.memory_space<hbm>>
      tpu.wait_indirect_dma semaphore(%arg22 : memref<!tpu.dma_semaphore, #tpu.memory_space<semaphore_mem>>) src(%dma_wait3A_408 : memref<676000x16xf32, #tpu.memory_space<hbm>>) dst(%dma_wait3A_402 : memref<128x16xf32, #tpu.memory_space<vmem>>)
      %dma_wait3A_409 = arith.constant 8 : i32
      %dma_wait3A_410 = arith.constant 1024 : i32
      %dma_wait3A_411 = arith.constant 0 : i32
      %dma_wait3A_412 = tpu.memref_slice %arg17[%dma_wait3A_410, %dma_wait3A_411] : memref<2688x16xf32, #tpu.memory_space<vmem>> -> memref<128x16xf32, #tpu.memory_space<vmem>>
      %dma_wait3A_413 = arith.constant 0 : i32
      %dma_wait3A_414 = tpu.memref_slice %arg16[%dma_wait3A_409, %dma_wait3A_413] : memref<21x128xi32, #tpu.memory_space<vmem>> -> memref<1x128xi32, #tpu.memory_space<vmem>>
      %dma_wait3A_415 = tpu.memref_squeeze %dma_wait3A_414 : memref<1x128xi32, #tpu.memory_space<vmem>> -> memref<128xi32, #tpu.memory_space<vmem>>
      %dma_wait3A_416 = arith.constant 0 : i32
      %dma_wait3A_417 = arith.constant 0 : i32
      %dma_wait3A_418 = tpu.memref_slice %arg5[%dma_wait3A_416, %dma_wait3A_417] : memref<676000x16xf32, #tpu.memory_space<hbm>> -> memref<676000x16xf32, #tpu.memory_space<hbm>>
      tpu.wait_indirect_dma semaphore(%arg22 : memref<!tpu.dma_semaphore, #tpu.memory_space<semaphore_mem>>) src(%dma_wait3A_418 : memref<676000x16xf32, #tpu.memory_space<hbm>>) dst(%dma_wait3A_412 : memref<128x16xf32, #tpu.memory_space<vmem>>)
      %dma_wait3A_419 = arith.constant 9 : i32
      %dma_wait3A_420 = arith.constant 1152 : i32
      %dma_wait3A_421 = arith.constant 0 : i32
      %dma_wait3A_422 = tpu.memref_slice %arg17[%dma_wait3A_420, %dma_wait3A_421] : memref<2688x16xf32, #tpu.memory_space<vmem>> -> memref<128x16xf32, #tpu.memory_space<vmem>>
      %dma_wait3A_423 = arith.constant 0 : i32
      %dma_wait3A_424 = tpu.memref_slice %arg16[%dma_wait3A_419, %dma_wait3A_423] : memref<21x128xi32, #tpu.memory_space<vmem>> -> memref<1x128xi32, #tpu.memory_space<vmem>>
      %dma_wait3A_425 = tpu.memref_squeeze %dma_wait3A_424 : memref<1x128xi32, #tpu.memory_space<vmem>> -> memref<128xi32, #tpu.memory_space<vmem>>
      %dma_wait3A_426 = arith.constant 0 : i32
      %dma_wait3A_427 = arith.constant 0 : i32
      %dma_wait3A_428 = tpu.memref_slice %arg5[%dma_wait3A_426, %dma_wait3A_427] : memref<676000x16xf32, #tpu.memory_space<hbm>> -> memref<676000x16xf32, #tpu.memory_space<hbm>>
      tpu.wait_indirect_dma semaphore(%arg22 : memref<!tpu.dma_semaphore, #tpu.memory_space<semaphore_mem>>) src(%dma_wait3A_428 : memref<676000x16xf32, #tpu.memory_space<hbm>>) dst(%dma_wait3A_422 : memref<128x16xf32, #tpu.memory_space<vmem>>)
      %dma_wait3A_429 = arith.constant 10 : i32
      %dma_wait3A_430 = arith.constant 1280 : i32
      %dma_wait3A_431 = arith.constant 0 : i32
      %dma_wait3A_432 = tpu.memref_slice %arg17[%dma_wait3A_430, %dma_wait3A_431] : memref<2688x16xf32, #tpu.memory_space<vmem>> -> memref<128x16xf32, #tpu.memory_space<vmem>>
      %dma_wait3A_433 = arith.constant 0 : i32
      %dma_wait3A_434 = tpu.memref_slice %arg16[%dma_wait3A_429, %dma_wait3A_433] : memref<21x128xi32, #tpu.memory_space<vmem>> -> memref<1x128xi32, #tpu.memory_space<vmem>>
      %dma_wait3A_435 = tpu.memref_squeeze %dma_wait3A_434 : memref<1x128xi32, #tpu.memory_space<vmem>> -> memref<128xi32, #tpu.memory_space<vmem>>
      %dma_wait3A_436 = arith.constant 0 : i32
      %dma_wait3A_437 = arith.constant 0 : i32
      %dma_wait3A_438 = tpu.memref_slice %arg5[%dma_wait3A_436, %dma_wait3A_437] : memref<676000x16xf32, #tpu.memory_space<hbm>> -> memref<676000x16xf32, #tpu.memory_space<hbm>>
      tpu.wait_indirect_dma semaphore(%arg22 : memref<!tpu.dma_semaphore, #tpu.memory_space<semaphore_mem>>) src(%dma_wait3A_438 : memref<676000x16xf32, #tpu.memory_space<hbm>>) dst(%dma_wait3A_432 : memref<128x16xf32, #tpu.memory_space<vmem>>)
      %dma_wait3A_439 = arith.constant 11 : i32
      %dma_wait3A_440 = arith.constant 1408 : i32
      %dma_wait3A_441 = arith.constant 0 : i32
      %dma_wait3A_442 = tpu.memref_slice %arg17[%dma_wait3A_440, %dma_wait3A_441] : memref<2688x16xf32, #tpu.memory_space<vmem>> -> memref<128x16xf32, #tpu.memory_space<vmem>>
      %dma_wait3A_443 = arith.constant 0 : i32
      %dma_wait3A_444 = tpu.memref_slice %arg16[%dma_wait3A_439, %dma_wait3A_443] : memref<21x128xi32, #tpu.memory_space<vmem>> -> memref<1x128xi32, #tpu.memory_space<vmem>>
      %dma_wait3A_445 = tpu.memref_squeeze %dma_wait3A_444 : memref<1x128xi32, #tpu.memory_space<vmem>> -> memref<128xi32, #tpu.memory_space<vmem>>
      %dma_wait3A_446 = arith.constant 0 : i32
      %dma_wait3A_447 = arith.constant 0 : i32
      %dma_wait3A_448 = tpu.memref_slice %arg5[%dma_wait3A_446, %dma_wait3A_447] : memref<676000x16xf32, #tpu.memory_space<hbm>> -> memref<676000x16xf32, #tpu.memory_space<hbm>>
      tpu.wait_indirect_dma semaphore(%arg22 : memref<!tpu.dma_semaphore, #tpu.memory_space<semaphore_mem>>) src(%dma_wait3A_448 : memref<676000x16xf32, #tpu.memory_space<hbm>>) dst(%dma_wait3A_442 : memref<128x16xf32, #tpu.memory_space<vmem>>)
      %dma_wait3A_449 = arith.constant 12 : i32
      %dma_wait3A_450 = arith.constant 1536 : i32
      %dma_wait3A_451 = arith.constant 0 : i32
      %dma_wait3A_452 = tpu.memref_slice %arg17[%dma_wait3A_450, %dma_wait3A_451] : memref<2688x16xf32, #tpu.memory_space<vmem>> -> memref<128x16xf32, #tpu.memory_space<vmem>>
      %dma_wait3A_453 = arith.constant 0 : i32
      %dma_wait3A_454 = tpu.memref_slice %arg16[%dma_wait3A_449, %dma_wait3A_453] : memref<21x128xi32, #tpu.memory_space<vmem>> -> memref<1x128xi32, #tpu.memory_space<vmem>>
      %dma_wait3A_455 = tpu.memref_squeeze %dma_wait3A_454 : memref<1x128xi32, #tpu.memory_space<vmem>> -> memref<128xi32, #tpu.memory_space<vmem>>
      %dma_wait3A_456 = arith.constant 0 : i32
      %dma_wait3A_457 = arith.constant 0 : i32
      %dma_wait3A_458 = tpu.memref_slice %arg5[%dma_wait3A_456, %dma_wait3A_457] : memref<676000x16xf32, #tpu.memory_space<hbm>> -> memref<676000x16xf32, #tpu.memory_space<hbm>>
      tpu.wait_indirect_dma semaphore(%arg22 : memref<!tpu.dma_semaphore, #tpu.memory_space<semaphore_mem>>) src(%dma_wait3A_458 : memref<676000x16xf32, #tpu.memory_space<hbm>>) dst(%dma_wait3A_452 : memref<128x16xf32, #tpu.memory_space<vmem>>)
      %dma_wait3A_459 = arith.constant 13 : i32
      %dma_wait3A_460 = arith.constant 1664 : i32
      %dma_wait3A_461 = arith.constant 0 : i32
      %dma_wait3A_462 = tpu.memref_slice %arg17[%dma_wait3A_460, %dma_wait3A_461] : memref<2688x16xf32, #tpu.memory_space<vmem>> -> memref<128x16xf32, #tpu.memory_space<vmem>>
      %dma_wait3A_463 = arith.constant 0 : i32
      %dma_wait3A_464 = tpu.memref_slice %arg16[%dma_wait3A_459, %dma_wait3A_463] : memref<21x128xi32, #tpu.memory_space<vmem>> -> memref<1x128xi32, #tpu.memory_space<vmem>>
      %dma_wait3A_465 = tpu.memref_squeeze %dma_wait3A_464 : memref<1x128xi32, #tpu.memory_space<vmem>> -> memref<128xi32, #tpu.memory_space<vmem>>
      %dma_wait3A_466 = arith.constant 0 : i32
      %dma_wait3A_467 = arith.constant 0 : i32
      %dma_wait3A_468 = tpu.memref_slice %arg5[%dma_wait3A_466, %dma_wait3A_467] : memref<676000x16xf32, #tpu.memory_space<hbm>> -> memref<676000x16xf32, #tpu.memory_space<hbm>>
      tpu.wait_indirect_dma semaphore(%arg22 : memref<!tpu.dma_semaphore, #tpu.memory_space<semaphore_mem>>) src(%dma_wait3A_468 : memref<676000x16xf32, #tpu.memory_space<hbm>>) dst(%dma_wait3A_462 : memref<128x16xf32, #tpu.memory_space<vmem>>)
      %dma_wait3A_469 = arith.constant 14 : i32
      %dma_wait3A_470 = arith.constant 1792 : i32
      %dma_wait3A_471 = arith.constant 0 : i32
      %dma_wait3A_472 = tpu.memref_slice %arg17[%dma_wait3A_470, %dma_wait3A_471] : memref<2688x16xf32, #tpu.memory_space<vmem>> -> memref<128x16xf32, #tpu.memory_space<vmem>>
      %dma_wait3A_473 = arith.constant 0 : i32
      %dma_wait3A_474 = tpu.memref_slice %arg16[%dma_wait3A_469, %dma_wait3A_473] : memref<21x128xi32, #tpu.memory_space<vmem>> -> memref<1x128xi32, #tpu.memory_space<vmem>>
      %dma_wait3A_475 = tpu.memref_squeeze %dma_wait3A_474 : memref<1x128xi32, #tpu.memory_space<vmem>> -> memref<128xi32, #tpu.memory_space<vmem>>
      %dma_wait3A_476 = arith.constant 0 : i32
      %dma_wait3A_477 = arith.constant 0 : i32
      %dma_wait3A_478 = tpu.memref_slice %arg5[%dma_wait3A_476, %dma_wait3A_477] : memref<676000x16xf32, #tpu.memory_space<hbm>> -> memref<676000x16xf32, #tpu.memory_space<hbm>>
      tpu.wait_indirect_dma semaphore(%arg22 : memref<!tpu.dma_semaphore, #tpu.memory_space<semaphore_mem>>) src(%dma_wait3A_478 : memref<676000x16xf32, #tpu.memory_space<hbm>>) dst(%dma_wait3A_472 : memref<128x16xf32, #tpu.memory_space<vmem>>)
      %dma_wait3A_479 = arith.constant 15 : i32
      %dma_wait3A_480 = arith.constant 1920 : i32
      %dma_wait3A_481 = arith.constant 0 : i32
      %dma_wait3A_482 = tpu.memref_slice %arg17[%dma_wait3A_480, %dma_wait3A_481] : memref<2688x16xf32, #tpu.memory_space<vmem>> -> memref<128x16xf32, #tpu.memory_space<vmem>>
      %dma_wait3A_483 = arith.constant 0 : i32
      %dma_wait3A_484 = tpu.memref_slice %arg16[%dma_wait3A_479, %dma_wait3A_483] : memref<21x128xi32, #tpu.memory_space<vmem>> -> memref<1x128xi32, #tpu.memory_space<vmem>>
      %dma_wait3A_485 = tpu.memref_squeeze %dma_wait3A_484 : memref<1x128xi32, #tpu.memory_space<vmem>> -> memref<128xi32, #tpu.memory_space<vmem>>
      %dma_wait3A_486 = arith.constant 0 : i32
      %dma_wait3A_487 = arith.constant 0 : i32
      %dma_wait3A_488 = tpu.memref_slice %arg5[%dma_wait3A_486, %dma_wait3A_487] : memref<676000x16xf32, #tpu.memory_space<hbm>> -> memref<676000x16xf32, #tpu.memory_space<hbm>>
      tpu.wait_indirect_dma semaphore(%arg22 : memref<!tpu.dma_semaphore, #tpu.memory_space<semaphore_mem>>) src(%dma_wait3A_488 : memref<676000x16xf32, #tpu.memory_space<hbm>>) dst(%dma_wait3A_482 : memref<128x16xf32, #tpu.memory_space<vmem>>)
      %dma_wait3A_489 = arith.constant 16 : i32
      %dma_wait3A_490 = arith.constant 2048 : i32
      %dma_wait3A_491 = arith.constant 0 : i32
      %dma_wait3A_492 = tpu.memref_slice %arg17[%dma_wait3A_490, %dma_wait3A_491] : memref<2688x16xf32, #tpu.memory_space<vmem>> -> memref<128x16xf32, #tpu.memory_space<vmem>>
      %dma_wait3A_493 = arith.constant 0 : i32
      %dma_wait3A_494 = tpu.memref_slice %arg16[%dma_wait3A_489, %dma_wait3A_493] : memref<21x128xi32, #tpu.memory_space<vmem>> -> memref<1x128xi32, #tpu.memory_space<vmem>>
      %dma_wait3A_495 = tpu.memref_squeeze %dma_wait3A_494 : memref<1x128xi32, #tpu.memory_space<vmem>> -> memref<128xi32, #tpu.memory_space<vmem>>
      %dma_wait3A_496 = arith.constant 0 : i32
      %dma_wait3A_497 = arith.constant 0 : i32
      %dma_wait3A_498 = tpu.memref_slice %arg5[%dma_wait3A_496, %dma_wait3A_497] : memref<676000x16xf32, #tpu.memory_space<hbm>> -> memref<676000x16xf32, #tpu.memory_space<hbm>>
      tpu.wait_indirect_dma semaphore(%arg22 : memref<!tpu.dma_semaphore, #tpu.memory_space<semaphore_mem>>) src(%dma_wait3A_498 : memref<676000x16xf32, #tpu.memory_space<hbm>>) dst(%dma_wait3A_492 : memref<128x16xf32, #tpu.memory_space<vmem>>)
      %dma_wait3A_499 = arith.constant 17 : i32
      %dma_wait3A_500 = arith.constant 2176 : i32
      %dma_wait3A_501 = arith.constant 0 : i32
      %dma_wait3A_502 = tpu.memref_slice %arg17[%dma_wait3A_500, %dma_wait3A_501] : memref<2688x16xf32, #tpu.memory_space<vmem>> -> memref<128x16xf32, #tpu.memory_space<vmem>>
      %dma_wait3A_503 = arith.constant 0 : i32
      %dma_wait3A_504 = tpu.memref_slice %arg16[%dma_wait3A_499, %dma_wait3A_503] : memref<21x128xi32, #tpu.memory_space<vmem>> -> memref<1x128xi32, #tpu.memory_space<vmem>>
      %dma_wait3A_505 = tpu.memref_squeeze %dma_wait3A_504 : memref<1x128xi32, #tpu.memory_space<vmem>> -> memref<128xi32, #tpu.memory_space<vmem>>
      %dma_wait3A_506 = arith.constant 0 : i32
      %dma_wait3A_507 = arith.constant 0 : i32
      %dma_wait3A_508 = tpu.memref_slice %arg5[%dma_wait3A_506, %dma_wait3A_507] : memref<676000x16xf32, #tpu.memory_space<hbm>> -> memref<676000x16xf32, #tpu.memory_space<hbm>>
      tpu.wait_indirect_dma semaphore(%arg22 : memref<!tpu.dma_semaphore, #tpu.memory_space<semaphore_mem>>) src(%dma_wait3A_508 : memref<676000x16xf32, #tpu.memory_space<hbm>>) dst(%dma_wait3A_502 : memref<128x16xf32, #tpu.memory_space<vmem>>)
      %dma_wait3A_509 = arith.constant 18 : i32
      %dma_wait3A_510 = arith.constant 2304 : i32
      %dma_wait3A_511 = arith.constant 0 : i32
      %dma_wait3A_512 = tpu.memref_slice %arg17[%dma_wait3A_510, %dma_wait3A_511] : memref<2688x16xf32, #tpu.memory_space<vmem>> -> memref<128x16xf32, #tpu.memory_space<vmem>>
      %dma_wait3A_513 = arith.constant 0 : i32
      %dma_wait3A_514 = tpu.memref_slice %arg16[%dma_wait3A_509, %dma_wait3A_513] : memref<21x128xi32, #tpu.memory_space<vmem>> -> memref<1x128xi32, #tpu.memory_space<vmem>>
      %dma_wait3A_515 = tpu.memref_squeeze %dma_wait3A_514 : memref<1x128xi32, #tpu.memory_space<vmem>> -> memref<128xi32, #tpu.memory_space<vmem>>
      %dma_wait3A_516 = arith.constant 0 : i32
      %dma_wait3A_517 = arith.constant 0 : i32
      %dma_wait3A_518 = tpu.memref_slice %arg5[%dma_wait3A_516, %dma_wait3A_517] : memref<676000x16xf32, #tpu.memory_space<hbm>> -> memref<676000x16xf32, #tpu.memory_space<hbm>>
      tpu.wait_indirect_dma semaphore(%arg22 : memref<!tpu.dma_semaphore, #tpu.memory_space<semaphore_mem>>) src(%dma_wait3A_518 : memref<676000x16xf32, #tpu.memory_space<hbm>>) dst(%dma_wait3A_512 : memref<128x16xf32, #tpu.memory_space<vmem>>)
      %dma_wait3A_519 = arith.constant 19 : i32
      %dma_wait3A_520 = arith.constant 2432 : i32
      %dma_wait3A_521 = arith.constant 0 : i32
      %dma_wait3A_522 = tpu.memref_slice %arg17[%dma_wait3A_520, %dma_wait3A_521] : memref<2688x16xf32, #tpu.memory_space<vmem>> -> memref<128x16xf32, #tpu.memory_space<vmem>>
      %dma_wait3A_523 = arith.constant 0 : i32
      %dma_wait3A_524 = tpu.memref_slice %arg16[%dma_wait3A_519, %dma_wait3A_523] : memref<21x128xi32, #tpu.memory_space<vmem>> -> memref<1x128xi32, #tpu.memory_space<vmem>>
      %dma_wait3A_525 = tpu.memref_squeeze %dma_wait3A_524 : memref<1x128xi32, #tpu.memory_space<vmem>> -> memref<128xi32, #tpu.memory_space<vmem>>
      %dma_wait3A_526 = arith.constant 0 : i32
      %dma_wait3A_527 = arith.constant 0 : i32
      %dma_wait3A_528 = tpu.memref_slice %arg5[%dma_wait3A_526, %dma_wait3A_527] : memref<676000x16xf32, #tpu.memory_space<hbm>> -> memref<676000x16xf32, #tpu.memory_space<hbm>>
      tpu.wait_indirect_dma semaphore(%arg22 : memref<!tpu.dma_semaphore, #tpu.memory_space<semaphore_mem>>) src(%dma_wait3A_528 : memref<676000x16xf32, #tpu.memory_space<hbm>>) dst(%dma_wait3A_522 : memref<128x16xf32, #tpu.memory_space<vmem>>)
      %dma_wait3A_529 = arith.constant 20 : i32
      %dma_wait3A_530 = arith.constant 2560 : i32
      %dma_wait3A_531 = arith.constant 0 : i32
      %dma_wait3A_532 = tpu.memref_slice %arg17[%dma_wait3A_530, %dma_wait3A_531] : memref<2688x16xf32, #tpu.memory_space<vmem>> -> memref<128x16xf32, #tpu.memory_space<vmem>>
      %dma_wait3A_533 = arith.constant 0 : i32
      %dma_wait3A_534 = tpu.memref_slice %arg16[%dma_wait3A_529, %dma_wait3A_533] : memref<21x128xi32, #tpu.memory_space<vmem>> -> memref<1x128xi32, #tpu.memory_space<vmem>>
      %dma_wait3A_535 = tpu.memref_squeeze %dma_wait3A_534 : memref<1x128xi32, #tpu.memory_space<vmem>> -> memref<128xi32, #tpu.memory_space<vmem>>
      %dma_wait3A_536 = arith.constant 0 : i32
      %dma_wait3A_537 = arith.constant 0 : i32
      %dma_wait3A_538 = tpu.memref_slice %arg5[%dma_wait3A_536, %dma_wait3A_537] : memref<676000x16xf32, #tpu.memory_space<hbm>> -> memref<676000x16xf32, #tpu.memory_space<hbm>>
      tpu.wait_indirect_dma semaphore(%arg22 : memref<!tpu.dma_semaphore, #tpu.memory_space<semaphore_mem>>) src(%dma_wait3A_538 : memref<676000x16xf32, #tpu.memory_space<hbm>>) dst(%dma_wait3A_532 : memref<128x16xf32, #tpu.memory_space<vmem>>)
      %dma_wait3A_539 = arith.constant 0 : i32
      %dma_wait3A_540 = tpu.memref_slice %arg3[%dma_wait3A_539] : memref<26000xf32, #tpu.memory_space<hbm>> -> memref<26000xf32, #tpu.memory_space<hbm>>
      tpu.wait_indirect_dma semaphore(%arg23 : memref<!tpu.dma_semaphore, #tpu.memory_space<semaphore_mem>>) src(%dma_wait3A_540 : memref<26000xf32, #tpu.memory_space<hbm>>) dst(%arg19 : memref<128xf32, #tpu.memory_space<vmem>>)
      %scan3A_541 = arith.constant 0 : i32
      %scan3A_542 = arith.constant 325 : i32
      %scan3A_543 = arith.addi %scan3A_541, %scan3A_542 : i32
      %scan3A_544 = arith.constant 1 : i32
      %scan3A_545:4 = scf.for %scan3A_724 = %scan3A_541 to %scan3A_543 step %scan3A_544 iter_args(%scan3A_725 = %broadcast_in_dim3A_10, %scan3A_726 = %broadcast_in_dim3A_10, %scan3A_727 = %broadcast_in_dim3A_10, %scan3A_728 = %broadcast_in_dim3A_10) -> (vector<16xf32>, vector<16xf32>, vector<16xf32>, vector<16xf32>)  : i32 {
        %mul3A_729 = arith.constant 2 : i32
        %mul3A_730 = arith.muli %mul3A_729, %scan3A_724 : i32
        %add3A_731 = arith.constant 0 : i32
        %add3A_732 = arith.addi %add3A_731, %mul3A_730 : i32
        %get3A_733 = arith.index_cast %add3A_732 : i32 to index
        %get3A_734 = arith.constant 0 : index
        %get3A_735 = tpu.vector_load %arg17[%get3A_733, %get3A_734] {strides = array<i32>} : memref<2688x16xf32, #tpu.memory_space<vmem>>, vector<16xf32>,
        %add3A_736 = arith.constant 1 : i32
        %add3A_737 = arith.addi %add3A_732, %add3A_736 : i32
        %get3A_738 = arith.index_cast %add3A_737 : i32 to index
        %get3A_739 = arith.constant 0 : index
        %get3A_740 = tpu.vector_load %arg17[%get3A_738, %get3A_739] {strides = array<i32>} : memref<2688x16xf32, #tpu.memory_space<vmem>>, vector<16xf32>,
        %mul3A_741 = arith.mulf %get3A_735, %get3A_740 : vector<16xf32>
        %add3A_742 = arith.addf %scan3A_725, %mul3A_741 : vector<16xf32>
        %mul3A_743 = arith.constant 2 : i32
        %mul3A_744 = arith.muli %mul3A_743, %scan3A_724 : i32
        %add3A_745 = arith.constant 650 : i32
        %add3A_746 = arith.addi %add3A_745, %mul3A_744 : i32
        %get3A_747 = arith.index_cast %add3A_746 : i32 to index
        %get3A_748 = arith.constant 0 : index
        %get3A_749 = tpu.vector_load %arg17[%get3A_747, %get3A_748] {strides = array<i32>} : memref<2688x16xf32, #tpu.memory_space<vmem>>, vector<16xf32>,
        %add3A_750 = arith.constant 1 : i32
        %add3A_751 = arith.addi %add3A_746, %add3A_750 : i32
        %get3A_752 = arith.index_cast %add3A_751 : i32 to index
        %get3A_753 = arith.constant 0 : index
        %get3A_754 = tpu.vector_load %arg17[%get3A_752, %get3A_753] {strides = array<i32>} : memref<2688x16xf32, #tpu.memory_space<vmem>>, vector<16xf32>,
        %mul3A_755 = arith.mulf %get3A_749, %get3A_754 : vector<16xf32>
        %add3A_756 = arith.addf %scan3A_726, %mul3A_755 : vector<16xf32>
        %mul3A_757 = arith.constant 2 : i32
        %mul3A_758 = arith.muli %mul3A_757, %scan3A_724 : i32
        %add3A_759 = arith.constant 1300 : i32
        %add3A_760 = arith.addi %add3A_759, %mul3A_758 : i32
        %get3A_761 = arith.index_cast %add3A_760 : i32 to index
        %get3A_762 = arith.constant 0 : index
        %get3A_763 = tpu.vector_load %arg17[%get3A_761, %get3A_762] {strides = array<i32>} : memref<2688x16xf32, #tpu.memory_space<vmem>>, vector<16xf32>,
        %add3A_764 = arith.constant 1 : i32
        %add3A_765 = arith.addi %add3A_760, %add3A_764 : i32
        %get3A_766 = arith.index_cast %add3A_765 : i32 to index
        %get3A_767 = arith.constant 0 : index
        %get3A_768 = tpu.vector_load %arg17[%get3A_766, %get3A_767] {strides = array<i32>} : memref<2688x16xf32, #tpu.memory_space<vmem>>, vector<16xf32>,
        %mul3A_769 = arith.mulf %get3A_763, %get3A_768 : vector<16xf32>
        %add3A_770 = arith.addf %scan3A_727, %mul3A_769 : vector<16xf32>
        %mul3A_771 = arith.constant 2 : i32
        %mul3A_772 = arith.muli %mul3A_771, %scan3A_724 : i32
        %add3A_773 = arith.constant 1950 : i32
        %add3A_774 = arith.addi %add3A_773, %mul3A_772 : i32
        %get3A_775 = arith.index_cast %add3A_774 : i32 to index
        %get3A_776 = arith.constant 0 : index
        %get3A_777 = tpu.vector_load %arg17[%get3A_775, %get3A_776] {strides = array<i32>} : memref<2688x16xf32, #tpu.memory_space<vmem>>, vector<16xf32>,
        %add3A_778 = arith.constant 1 : i32
        %add3A_779 = arith.addi %add3A_774, %add3A_778 : i32
        %get3A_780 = arith.index_cast %add3A_779 : i32 to index
        %get3A_781 = arith.constant 0 : index
        %get3A_782 = tpu.vector_load %arg17[%get3A_780, %get3A_781] {strides = array<i32>} : memref<2688x16xf32, #tpu.memory_space<vmem>>, vector<16xf32>,
        %mul3A_783 = arith.mulf %get3A_777, %get3A_782 : vector<16xf32>
        %add3A_784 = arith.addf %scan3A_728, %mul3A_783 : vector<16xf32>
        scf.yield %add3A_742, %add3A_756, %add3A_770, %add3A_784 : vector<16xf32>, vector<16xf32>, vector<16xf32>, vector<16xf32>
      }
      %scan3A_546 = arith.constant 325 : i32
      %get3A_547 = arith.constant 0 : index
      %get3A_548 = tpu.vector_load %arg19[%get3A_547] {strides = array<i32>} : memref<128xf32, #tpu.memory_space<vmem>>, vector<16xf32>,
      %get3A_549 = arith.constant 16 : index
      %get3A_550 = tpu.vector_load %arg19[%get3A_549] {strides = array<i32>} : memref<128xf32, #tpu.memory_space<vmem>>, vector<16xf32>,
      %add3A_551 = arith.addf %scan3A_545#0, %get3A_548 : vector<16xf32>
      %mul3A_552 = arith.mulf %get3A_550, %select_n3A : vector<16xf32>
      %add3A_553 = arith.addf %add3A_551, %mul3A_552 : vector<16xf32>
      %add3A_554 = arith.addf %add3A_553, %select_n3A_17 : vector<16xf32>
      %reduce_sum3A = arith.constant true
      %reduce_sum3A_555 = vector.broadcast %reduce_sum3A : i1 to vector<16xi1>
      %reduce_sum3A_556 = tpu.scan <sum>, %add3A_554 masked %reduce_sum3A_555 : vector<16xf32>, vector<16xi1> -> vector<16xf32>
      %reduce_sum3A_557 = vector.extract %reduce_sum3A_556[15] : f32 from vector<16xf32>
      %jit3A_558 = arith.constant 4 : i32
      %eq3A = arith.constant 0 : i32
      %eq3A_559 = arith.cmpi eq, %jit3A_558, %eq3A : i32
      %jit3A_560 = arith.constant 1 : i32
      %select_n3A_561 = arith.select %eq3A_559, %jit3A_560, %jit3A_558 : i32
      %rem3A = arith.remsi %scan3A_30, %select_n3A_561 : i32
      %ne3A = arith.constant 0 : i32
      %ne3A_562 = arith.cmpi ne, %rem3A, %ne3A : i32
      %lt3A_563 = arith.constant 0 : i32
      %lt3A_564 = arith.cmpi slt, %rem3A, %lt3A_563 : i32
      %lt3A_565 = arith.constant 0 : i32
      %lt3A_566 = arith.cmpi slt, %select_n3A_561, %lt3A_565 : i32
      %ne3A_567 = arith.xori %lt3A_564, %lt3A_566 : i1
      %and3A = arith.andi %ne3A_567, %ne3A_562 : i1
      %add3A_568 = arith.addi %rem3A, %select_n3A_561 : i32
      %select_n3A_569 = arith.select %and3A, %add3A_568, %rem3A : i32
      %mul3A_570 = arith.constant 4 : i32
      %mul3A_571 = arith.muli %select_n3A_569, %mul3A_570 : i32
      %add3A_572 = arith.constant 0 : i32
      %add3A_573 = arith.addi %mul3A_571, %add3A_572 : i32
      %eq3A_574 = vector.broadcast %add3A_573 : i32 to vector<16xi32>
      %eq3A_575 = arith.cmpi eq, %iota3A, %eq3A_574 : vector<16xi32>
      %broadcast_in_dim3A_576 = vector.broadcast %reduce_sum3A_557 : f32 to vector<16xf32>
      %select_n3A_577 = arith.select %eq3A_575, %broadcast_in_dim3A_576, %scan3A_31 : vector<16xi1>, vector<16xf32>
      %get3A_578 = arith.constant 32 : index
      %get3A_579 = tpu.vector_load %arg19[%get3A_578] {strides = array<i32>} : memref<128xf32, #tpu.memory_space<vmem>>, vector<16xf32>,
      %get3A_580 = arith.constant 48 : index
      %get3A_581 = tpu.vector_load %arg19[%get3A_580] {strides = array<i32>} : memref<128xf32, #tpu.memory_space<vmem>>, vector<16xf32>,
      %add3A_582 = arith.addf %scan3A_545#1, %get3A_579 : vector<16xf32>
      %mul3A_583 = arith.mulf %get3A_581, %select_n3A : vector<16xf32>
      %add3A_584 = arith.addf %add3A_582, %mul3A_583 : vector<16xf32>
      %add3A_585 = arith.addf %add3A_584, %select_n3A_17 : vector<16xf32>
      %reduce_sum3A_586 = arith.constant true
      %reduce_sum3A_587 = vector.broadcast %reduce_sum3A_586 : i1 to vector<16xi1>
      %reduce_sum3A_588 = tpu.scan <sum>, %add3A_585 masked %reduce_sum3A_587 : vector<16xf32>, vector<16xi1> -> vector<16xf32>
      %reduce_sum3A_589 = vector.extract %reduce_sum3A_588[15] : f32 from vector<16xf32>
      %jit3A_590 = arith.constant 4 : i32
      %eq3A_591 = arith.constant 0 : i32
      %eq3A_592 = arith.cmpi eq, %jit3A_590, %eq3A_591 : i32
      %jit3A_593 = arith.constant 1 : i32
      %select_n3A_594 = arith.select %eq3A_592, %jit3A_593, %jit3A_590 : i32
      %rem3A_595 = arith.remsi %scan3A_30, %select_n3A_594 : i32
      %ne3A_596 = arith.constant 0 : i32
      %ne3A_597 = arith.cmpi ne, %rem3A_595, %ne3A_596 : i32
      %lt3A_598 = arith.constant 0 : i32
      %lt3A_599 = arith.cmpi slt, %rem3A_595, %lt3A_598 : i32
      %lt3A_600 = arith.constant 0 : i32
      %lt3A_601 = arith.cmpi slt, %select_n3A_594, %lt3A_600 : i32
      %ne3A_602 = arith.xori %lt3A_599, %lt3A_601 : i1
      %and3A_603 = arith.andi %ne3A_602, %ne3A_597 : i1
      %add3A_604 = arith.addi %rem3A_595, %select_n3A_594 : i32
      %select_n3A_605 = arith.select %and3A_603, %add3A_604, %rem3A_595 : i32
      %mul3A_606 = arith.constant 4 : i32
      %mul3A_607 = arith.muli %select_n3A_605, %mul3A_606 : i32
      %add3A_608 = arith.constant 1 : i32
      %add3A_609 = arith.addi %mul3A_607, %add3A_608 : i32
      %eq3A_610 = vector.broadcast %add3A_609 : i32 to vector<16xi32>
      %eq3A_611 = arith.cmpi eq, %iota3A, %eq3A_610 : vector<16xi32>
      %broadcast_in_dim3A_612 = vector.broadcast %reduce_sum3A_589 : f32 to vector<16xf32>
      %select_n3A_613 = arith.select %eq3A_611, %broadcast_in_dim3A_612, %select_n3A_577 : vector<16xi1>, vector<16xf32>
      %get3A_614 = arith.constant 64 : index
      %get3A_615 = tpu.vector_load %arg19[%get3A_614] {strides = array<i32>} : memref<128xf32, #tpu.memory_space<vmem>>, vector<16xf32>,
      %get3A_616 = arith.constant 80 : index
      %get3A_617 = tpu.vector_load %arg19[%get3A_616] {strides = array<i32>} : memref<128xf32, #tpu.memory_space<vmem>>, vector<16xf32>,
      %add3A_618 = arith.addf %scan3A_545#2, %get3A_615 : vector<16xf32>
      %mul3A_619 = arith.mulf %get3A_617, %select_n3A : vector<16xf32>
      %add3A_620 = arith.addf %add3A_618, %mul3A_619 : vector<16xf32>
      %add3A_621 = arith.addf %add3A_620, %select_n3A_17 : vector<16xf32>
      %reduce_sum3A_622 = arith.constant true
      %reduce_sum3A_623 = vector.broadcast %reduce_sum3A_622 : i1 to vector<16xi1>
      %reduce_sum3A_624 = tpu.scan <sum>, %add3A_621 masked %reduce_sum3A_623 : vector<16xf32>, vector<16xi1> -> vector<16xf32>
      %reduce_sum3A_625 = vector.extract %reduce_sum3A_624[15] : f32 from vector<16xf32>
      %jit3A_626 = arith.constant 4 : i32
      %eq3A_627 = arith.constant 0 : i32
      %eq3A_628 = arith.cmpi eq, %jit3A_626, %eq3A_627 : i32
      %jit3A_629 = arith.constant 1 : i32
      %select_n3A_630 = arith.select %eq3A_628, %jit3A_629, %jit3A_626 : i32
      %rem3A_631 = arith.remsi %scan3A_30, %select_n3A_630 : i32
      %ne3A_632 = arith.constant 0 : i32
      %ne3A_633 = arith.cmpi ne, %rem3A_631, %ne3A_632 : i32
      %lt3A_634 = arith.constant 0 : i32
      %lt3A_635 = arith.cmpi slt, %rem3A_631, %lt3A_634 : i32
      %lt3A_636 = arith.constant 0 : i32
      %lt3A_637 = arith.cmpi slt, %select_n3A_630, %lt3A_636 : i32
      %ne3A_638 = arith.xori %lt3A_635, %lt3A_637 : i1
      %and3A_639 = arith.andi %ne3A_638, %ne3A_633 : i1
      %add3A_640 = arith.addi %rem3A_631, %select_n3A_630 : i32
      %select_n3A_641 = arith.select %and3A_639, %add3A_640, %rem3A_631 : i32
      %mul3A_642 = arith.constant 4 : i32
      %mul3A_643 = arith.muli %select_n3A_641, %mul3A_642 : i32
      %add3A_644 = arith.constant 2 : i32
      %add3A_645 = arith.addi %mul3A_643, %add3A_644 : i32
      %eq3A_646 = vector.broadcast %add3A_645 : i32 to vector<16xi32>
      %eq3A_647 = arith.cmpi eq, %iota3A, %eq3A_646 : vector<16xi32>
      %broadcast_in_dim3A_648 = vector.broadcast %reduce_sum3A_625 : f32 to vector<16xf32>
      %select_n3A_649 = arith.select %eq3A_647, %broadcast_in_dim3A_648, %select_n3A_613 : vector<16xi1>, vector<16xf32>
      %get3A_650 = arith.constant 96 : index
      %get3A_651 = tpu.vector_load %arg19[%get3A_650] {strides = array<i32>} : memref<128xf32, #tpu.memory_space<vmem>>, vector<16xf32>,
      %get3A_652 = arith.constant 112 : index
      %get3A_653 = tpu.vector_load %arg19[%get3A_652] {strides = array<i32>} : memref<128xf32, #tpu.memory_space<vmem>>, vector<16xf32>,
      %add3A_654 = arith.addf %scan3A_545#3, %get3A_651 : vector<16xf32>
      %mul3A_655 = arith.mulf %get3A_653, %select_n3A : vector<16xf32>
      %add3A_656 = arith.addf %add3A_654, %mul3A_655 : vector<16xf32>
      %add3A_657 = arith.addf %add3A_656, %select_n3A_17 : vector<16xf32>
      %reduce_sum3A_658 = arith.constant true
      %reduce_sum3A_659 = vector.broadcast %reduce_sum3A_658 : i1 to vector<16xi1>
      %reduce_sum3A_660 = tpu.scan <sum>, %add3A_657 masked %reduce_sum3A_659 : vector<16xf32>, vector<16xi1> -> vector<16xf32>
      %reduce_sum3A_661 = vector.extract %reduce_sum3A_660[15] : f32 from vector<16xf32>
      %jit3A_662 = arith.constant 4 : i32
      %eq3A_663 = arith.constant 0 : i32
      %eq3A_664 = arith.cmpi eq, %jit3A_662, %eq3A_663 : i32
      %jit3A_665 = arith.constant 1 : i32
      %select_n3A_666 = arith.select %eq3A_664, %jit3A_665, %jit3A_662 : i32
      %rem3A_667 = arith.remsi %scan3A_30, %select_n3A_666 : i32
      %ne3A_668 = arith.constant 0 : i32
      %ne3A_669 = arith.cmpi ne, %rem3A_667, %ne3A_668 : i32
      %lt3A_670 = arith.constant 0 : i32
      %lt3A_671 = arith.cmpi slt, %rem3A_667, %lt3A_670 : i32
      %lt3A_672 = arith.constant 0 : i32
      %lt3A_673 = arith.cmpi slt, %select_n3A_666, %lt3A_672 : i32
      %ne3A_674 = arith.xori %lt3A_671, %lt3A_673 : i1
      %and3A_675 = arith.andi %ne3A_674, %ne3A_669 : i1
      %add3A_676 = arith.addi %rem3A_667, %select_n3A_666 : i32
      %select_n3A_677 = arith.select %and3A_675, %add3A_676, %rem3A_667 : i32
      %mul3A_678 = arith.constant 4 : i32
      %mul3A_679 = arith.muli %select_n3A_677, %mul3A_678 : i32
      %add3A_680 = arith.constant 3 : i32
      %add3A_681 = arith.addi %mul3A_679, %add3A_680 : i32
      %eq3A_682 = vector.broadcast %add3A_681 : i32 to vector<16xi32>
      %eq3A_683 = arith.cmpi eq, %iota3A, %eq3A_682 : vector<16xi32>
      %broadcast_in_dim3A_684 = vector.broadcast %reduce_sum3A_661 : f32 to vector<16xf32>
      %select_n3A_685 = arith.select %eq3A_683, %broadcast_in_dim3A_684, %select_n3A_649 : vector<16xi1>, vector<16xf32>
      %jit3A_686 = arith.constant 4 : i32
      %eq3A_687 = arith.constant 0 : i32
      %eq3A_688 = arith.cmpi eq, %jit3A_686, %eq3A_687 : i32
      %jit3A_689 = arith.constant 1 : i32
      %select_n3A_690 = arith.select %eq3A_688, %jit3A_689, %jit3A_686 : i32
      %rem3A_691 = arith.remsi %scan3A_30, %select_n3A_690 : i32
      %ne3A_692 = arith.constant 0 : i32
      %ne3A_693 = arith.cmpi ne, %rem3A_691, %ne3A_692 : i32
      %lt3A_694 = arith.constant 0 : i32
      %lt3A_695 = arith.cmpi slt, %rem3A_691, %lt3A_694 : i32
      %lt3A_696 = arith.constant 0 : i32
      %lt3A_697 = arith.cmpi slt, %select_n3A_690, %lt3A_696 : i32
      %ne3A_698 = arith.xori %lt3A_695, %lt3A_697 : i1
      %and3A_699 = arith.andi %ne3A_698, %ne3A_693 : i1
      %add3A_700 = arith.addi %rem3A_691, %select_n3A_690 : i32
      %select_n3A_701 = arith.select %and3A_699, %add3A_700, %rem3A_691 : i32
      %eq3A_702 = arith.constant 3 : i32
      %eq3A_703 = arith.cmpi eq, %select_n3A_701, %eq3A_702 : i32
      %convert_element_type3A = arith.extui %eq3A_703 : i1 to i32
      %cond3A = arith.constant 0 : i32
      %cond3A_704 = arith.cmpi ne, %convert_element_type3A, %cond3A : i32
      scf.if %cond3A_704 {
        %jit3A_724 = arith.constant 4 : i32
        %div3A = arith.divsi %scan3A_30, %jit3A_724 : i32
        %sign3A = arith.constant 0 : i32
        %sign3A_725 = arith.cmpi sgt, %scan3A_30, %sign3A : i32
        %sign3A_726 = arith.extui %sign3A_725 : i1 to i32
        %sign3A_727 = arith.constant 0 : i32
        %sign3A_728 = arith.cmpi slt, %scan3A_30, %sign3A_727 : i32
        %sign3A_729 = arith.extui %sign3A_728 : i1 to i32
        %sign3A_730 = arith.subi %sign3A_726, %sign3A_729 : i32
        %sign3A_731 = arith.constant 0 : i32
        %sign3A_732 = arith.cmpi sgt, %jit3A_724, %sign3A_731 : i32
        %sign3A_733 = arith.extui %sign3A_732 : i1 to i32
        %sign3A_734 = arith.constant 0 : i32
        %sign3A_735 = arith.cmpi slt, %jit3A_724, %sign3A_734 : i32
        %sign3A_736 = arith.extui %sign3A_735 : i1 to i32
        %sign3A_737 = arith.subi %sign3A_733, %sign3A_736 : i32
        %ne3A_738 = arith.cmpi ne, %sign3A_730, %sign3A_737 : i32
        %rem3A_739 = arith.remsi %scan3A_30, %jit3A_724 : i32
        %ne3A_740 = arith.constant 0 : i32
        %ne3A_741 = arith.cmpi ne, %rem3A_739, %ne3A_740 : i32
        %and3A_742 = arith.andi %ne3A_738, %ne3A_741 : i1
        %sub3A = arith.constant 1 : i32
        %sub3A_743 = arith.subi %div3A, %sub3A : i32
        %select_n3A_744 = arith.select %and3A_742, %sub3A_743, %div3A : i32
        %mul3A_745 = arith.constant 16 : i32
        %mul3A_746 = arith.muli %select_n3A_744, %mul3A_745 : i32
        %swap3A_747 = arith.index_cast %mul3A_746 : i32 to index
        %swap3A_748 = tpu.vector_load %arg20[%swap3A_747] {strides = array<i32>} : memref<128xf32, #tpu.memory_space<vmem>>, vector<16xf32>,
        tpu.vector_store %arg20[%swap3A_747], %select_n3A_685 {strides = array<i32>} : memref<128xf32, #tpu.memory_space<vmem>>, vector<16xf32>,
      } else {
      }
      %jit3A_705 = arith.constant 4 : i32
      %eq3A_706 = arith.constant 0 : i32
      %eq3A_707 = arith.cmpi eq, %jit3A_705, %eq3A_706 : i32
      %jit3A_708 = arith.constant 1 : i32
      %select_n3A_709 = arith.select %eq3A_707, %jit3A_708, %jit3A_705 : i32
      %rem3A_710 = arith.remsi %scan3A_30, %select_n3A_709 : i32
      %ne3A_711 = arith.constant 0 : i32
      %ne3A_712 = arith.cmpi ne, %rem3A_710, %ne3A_711 : i32
      %lt3A_713 = arith.constant 0 : i32
      %lt3A_714 = arith.cmpi slt, %rem3A_710, %lt3A_713 : i32
      %lt3A_715 = arith.constant 0 : i32
      %lt3A_716 = arith.cmpi slt, %select_n3A_709, %lt3A_715 : i32
      %ne3A_717 = arith.xori %lt3A_714, %lt3A_716 : i1
      %and3A_718 = arith.andi %ne3A_717, %ne3A_712 : i1
      %add3A_719 = arith.addi %rem3A_710, %select_n3A_709 : i32
      %select_n3A_720 = arith.select %and3A_718, %add3A_719, %rem3A_710 : i32
      %eq3A_721 = arith.constant 3 : i32
      %eq3A_722 = arith.cmpi eq, %select_n3A_720, %eq3A_721 : i32
      %select_n3A_723 = arith.select %eq3A_722, %broadcast_in_dim3A_10, %select_n3A_685 : vector<16xf32>
      scf.yield %select_n3A_723 : vector<16xf32>
    }
    %scan3A_22 = arith.constant 32 : i32
    %scan3A_23 = arith.constant 0 : i32
    %scan3A_24 = arith.constant 0 : i32
    %scan3A_25 = arith.constant 8 : i32
    %scan3A_26 = arith.addi %scan3A_24, %scan3A_25 : i32
    %scan3A_27 = arith.constant 1 : i32
    %scan3A_28 = scf.for %scan3A_30 = %scan3A_24 to %scan3A_26 step %scan3A_27 iter_args(%scan3A_31 = %scan3A_23) -> (i32)  : i32 {
      %mul3A_32 = arith.constant 16 : i32
      %mul3A_33 = arith.muli %scan3A_30, %mul3A_32 : i32
      %get3A_34 = arith.index_cast %mul3A_33 : i32 to index
      %get3A_35 = tpu.vector_load %arg20[%get3A_34] {strides = array<i32>} : memref<128xf32, #tpu.memory_space<vmem>>, vector<16xf32>,
      %neg3A = arith.constant 0.000000e+00 : f32
      %neg3A_36 = vector.broadcast %neg3A : f32 to vector<16xf32>
      %neg3A_37 = arith.subf %neg3A_36, %get3A_35 : vector<16xf32>
      %exp3A = math.exp %neg3A_37 : vector<16xf32>
      %add3A_38 = arith.constant 1.000000e+00 : f32
      %add3A_39 = vector.broadcast %add3A_38 : f32 to vector<16xf32>
      %add3A_40 = arith.addf %add3A_39, %exp3A : vector<16xf32>
      %div3A = arith.constant 1.000000e+00 : f32
      %div3A_41 = vector.broadcast %div3A : f32 to vector<16xf32>
      %div3A_42 = arith.divf %div3A_41, %add3A_40 : vector<16xf32>
      %mul3A_43 = arith.constant 16 : i32
      %mul3A_44 = arith.muli %scan3A_30, %mul3A_43 : i32
      %swap3A = arith.index_cast %mul3A_44 : i32 to index
      %swap3A_45 = tpu.vector_load %arg20[%swap3A] {strides = array<i32>} : memref<128xf32, #tpu.memory_space<vmem>>, vector<16xf32>,
      tpu.vector_store %arg20[%swap3A], %div3A_42 {strides = array<i32>} : memref<128xf32, #tpu.memory_space<vmem>>, vector<16xf32>,
      %scan3A_46 = arith.constant 0 : i32
      scf.yield %scan3A_46 : i32
    }
    %scan3A_29 = arith.constant 8 : i32
    "tpu.region"() ({
      %run_scoped3A = tpu.sem_alloc : memref<!tpu.dma_semaphore, #tpu.memory_space<semaphore_mem>>
      %dma_start3A = tpu.memref_slice %arg10[%mul3A_2] : memref<4096xf32, #tpu.memory_space<hbm>> -> memref<128xf32, #tpu.memory_space<hbm>>
      %dma_start3A_30 = tpu.memref_slice %arg10[%mul3A_2] : memref<4096xf32, #tpu.memory_space<hbm>> -> memref<128xf32, #tpu.memory_space<hbm>>
      tpu.enqueue_dma source(%arg20 : memref<128xf32, #tpu.memory_space<vmem>>) target(%dma_start3A_30 : memref<128xf32, #tpu.memory_space<hbm>>) target_semaphore(%run_scoped3A : memref<!tpu.dma_semaphore, #tpu.memory_space<semaphore_mem>>)
      %dma_wait3A = tpu.memref_slice %arg10[%mul3A_2] : memref<4096xf32, #tpu.memory_space<hbm>> -> memref<128xf32, #tpu.memory_space<hbm>>
      %dma_wait3A_31 = tpu.memref_slice %arg10[%mul3A_2] : memref<4096xf32, #tpu.memory_space<hbm>> -> memref<128xf32, #tpu.memory_space<hbm>>
      tpu.wait_dma2 semaphore(%run_scoped3A : memref<!tpu.dma_semaphore, #tpu.memory_space<semaphore_mem>>) src(%arg20 : memref<128xf32, #tpu.memory_space<vmem>>) dst(%dma_wait3A_31 : memref<128xf32, #tpu.memory_space<hbm>>)
      tpu.yield
    }) : () -> ()
    return
  }
}

</mosaic_0001>

<sc_bundles>
// kernel: kernel.3.cloned.1.call-start
scs
__scs_entry_jumppad:
0x0: {  	(pc) =	sbr.rel $0x88, $3  }
0x1: {  	(tag) =	ssettag $0x0;
	lr =	simm.s32 $0x1  }
0x2: {  	[smem:$0x3F9D] =	sst lr;
	_ =	strace $0xD0000000  }
0x3: {  	_ = 	snop  }
0x4: {  	_ = 	snop  }
0x5: {  	_ = 	snop  }
0x6: {  	_ = 	snop  }
0x7: {  	_ = 	snop  }
__scs_overlays_trampoline_lowered:
0x8: {  	[smem:$0x3FAC] =	sst s0  }
0x9: {  	[smem:$0x3FAD] =	sst s1  }
0xa: {  	[smem:$0x3FAE] =	sst s2  }
0xb: {  	[smem:$0x3FAF] =	sst s3  }
0xc: {  	[smem:$0x3FB0] =	sst s4  }
0xd: {  	[smem:$0x3FB1] =	sst s5  }
0xe: {  	[smem:$0x3FB2] =	sst s6  }
0xf: {  	[smem:$0x3FB3] =	sst s7  }
0x10: {  	[smem:$0x3FB4] =	sst s8  }
0x11: {  	[smem:$0x3FB5] =	sst s9;
	s0 =	simm.s32 @!p0 $0x0  }
0x12: {  	s1 =	sld [smem:$0x3F9B];
	s0 =	simm.s32 @p0 $0x1  }
0x13: {  	[smem:$0x3FB6] =	sst s0;
	s0 =	simm.s32 @!p1 $0x0  }
0x14: {  	s2 =	sld [smem:$0x3F9A];
	s0 =	simm.s32 @p1 $0x1  }
0x15: {  	[smem:$0x3FB7] =	sst s0;
	s0 =	simm.s32 @!p2 $0x0  }
0x16: {  	s3 =	sld [smem:$0x3FDB];
	s0 =	simm.s32 @p2 $0x1  }
0x17: {  	s4 =	simm.s32 $0x1BF5;
	[smem:$0x3FB9] =	sst s0  }
0x18: {  	s0 =	sld [smem:$0x3F9C];
	_ =	swait.ge [sflag:s4], $0x0  }
0x19: {  	s7 =	sld [smem:$0x3F9D]  }
0x1a: {  	s8 =	sadd.s32 $0xFFFFE003, lr  }
0x1b: {  	s9 =	sadd.s32 $0xFFFFFEF7, lr;
	s5 =	simm.s32 $0xFFFFFFFF;
	p2 =	slt.u32 s8, $0xFFFFF086  }
0x1c: {  	p1 =	slt.u32 s9, $0xF7A;
	s5 =	simm.s32 @!p2 $0x0  }
0x1d: {  	s5 =	simm.s32 @p1 $0x1;
	p0 =	seq.s32 s7, s2  }
0x1e: {  	s7 =	smul.u32 @!p0 $0xF7A, s2;
	p2 =	seq.s32 @!p0 s5, $0x0  }
0x1f: {  	s9 =	smul.u32 $0xF7A, s1;
	s8 =	simm.s32 @!p0 $0x1BF5;
	p2 =	por !p2, p0  }
0x20: {  	[sflag:s8] =	ssyncset.s32 @!p0 $0xFFFFF086;
	s6 =	sadd.s32 @!p0 s3, s7;
	s7 =	simm.s32 @!p0 $0x108  }
0x21: {  	s3 =	sadd.s32 s3, s9;
	s6 =	sadd.s32 @!p0 $0x88, s6;
	s7 =	simm.s32 @p2 $0x1082  }
0x22: {  	[simem:s7], [sflag:s8] =	dma.local @!p0 [hbm:s6], $0xF7A  }
0x23: {  	s9 =	sor.u32 $0xD0000000, s2;
	s6 =	simm.s32 $0x108;
	_ =	swait.ge @!p0 [sflag:s8], $0x0  }
0x24: {  	s3 =	sadd.s32 $0x88, s3;
	s6 =	simm.s32 @!p1 $0x1082;
	[sflag:s4] =	ssyncset.s32 $0xFFFFF086  }
0x25: {  	[simem:s6], [sflag:s4] =	dma.local [hbm:s3], $0xF7A  }
0x26: {  	[smem:$0x3F9D] =	sst s1;
	(tag) =	ssettag s2;
	_ =	strace s9  }
0x27: {  	s1 =	sld [smem:$0x3FAD]  }
0x28: {  	s2 =	sld [smem:$0x3FAE]  }
0x29: {  	s4 =	sld [smem:$0x3FB0]  }
0x2a: {  	p0 =	seq.s32 s5, $0x0;
	s5 =	sld [smem:$0x3FB1]  }
0x2b: {  	s6 =	sld [smem:$0x3FB2]  }
0x2c: {  	s7 =	sld [smem:$0x3FB3]  }
0x2d: {  	s3 =	simm.s32 $0x108;
	s8 =	sld [smem:$0x3FB4]  }
0x2e: {  	s3 =	simm.s32 @!p0 $0x1082;
	s9 =	sld [smem:$0x3FB5]  }
0x2f: {  	lr =	sadd.s32 s0, s3;
	s0 =	sld [smem:$0x3FAC]  }
0x30: {  	s3 =	sld [smem:$0x3FAF]  }
0x31: {  	[smem:$0x3FB8] =	sst s10  }
0x32: {  	s10 =	sld [smem:$0x3FB6];
	_ =	sdelay $0x3  }
0x33: {  	p0 =	seq.s32 s10, $0x1;
	s10 =	sld [smem:$0x3FB8];
	_ =	sdelay $0x3  }
0x34: {  	[smem:$0x3FB8] =	sst s10  }
0x35: {  	s10 =	sld [smem:$0x3FB7];
	_ =	sdelay $0x3  }
0x36: {  	p1 =	seq.s32 s10, $0x1;
	s10 =	sld [smem:$0x3FB8];
	_ =	sdelay $0x3  }
0x37: {  	[smem:$0x3FB8] =	sst s10  }
0x38: {  	s10 =	sld [smem:$0x3FB9]  }
0x39: {  	_ = 	snop;
	(pc) =	sbr.ind lr, $3  }
0x3a: {  	_ = 	snop  }
0x3b: {  	_ = 	snop  }
0x3c: {  	p2 =	seq.s32 s10, $0x1;
	s10 =	sld [smem:$0x3FB8]  }
0x3d: {  	_ =	shalt  }
0x3e: {  	_ =	shalt  }
0x3f: {  	_ =	shalt  }
0x40: {  	_ =	shalt  }
0x41: {  	_ =	shalt  }
0x42: {  	_ =	shalt  }
0x43: {  	_ =	shalt  }
0x44: {  	_ =	shalt  }
0x45: {  	_ =	shalt  }
0x46: {  	_ =	shalt  }
0x47: {  	_ =	shalt  }
0x48: {  	_ =	shalt  }
0x49: {  	_ =	shalt  }
0x4a: {  	_ =	shalt  }
0x4b: {  	_ =	shalt  }
0x4c: {  	_ =	shalt  }
0x4d: {  	_ =	shalt  }
0x4e: {  	_ =	shalt  }
0x4f: {  	_ =	shalt  }
0x50: {  	_ =	shalt  }
0x51: {  	_ =	shalt  }
0x52: {  	_ =	shalt  }
0x53: {  	_ =	shalt  }
0x54: {  	_ =	shalt  }
0x55: {  	_ =	shalt  }
0x56: {  	_ =	shalt  }
0x57: {  	_ =	shalt  }
0x58: {  	_ =	shalt  }
0x59: {  	_ =	shalt  }
0x5a: {  	_ =	shalt  }
0x5b: {  	_ =	shalt  }
0x5c: {  	_ =	shalt  }
0x5d: {  	_ =	shalt  }
0x5e: {  	_ =	shalt  }
0x5f: {  	_ =	shalt  }
0x60: {  	_ =	shalt  }
0x61: {  	_ =	shalt  }
0x62: {  	_ =	shalt  }
0x63: {  	_ =	shalt  }
0x64: {  	_ =	shalt  }
0x65: {  	_ =	shalt  }
0x66: {  	_ =	shalt  }
0x67: {  	_ =	shalt  }
0x68: {  	_ =	shalt  }
0x69: {  	_ =	shalt  }
0x6a: {  	_ =	shalt  }
0x6b: {  	_ =	shalt  }
0x6c: {  	_ =	shalt  }
0x6d: {  	_ =	shalt  }
0x6e: {  	_ =	shalt  }
0x6f: {  	_ =	shalt  }
0x70: {  	_ =	shalt  }
0x71: {  	_ =	shalt  }
0x72: {  	_ =	shalt  }
0x73: {  	_ =	shalt  }
0x74: {  	_ =	shalt  }
0x75: {  	_ =	shalt  }
0x76: {  	_ =	shalt  }
0x77: {  	_ =	shalt  }
0x78: {  	_ =	shalt  }
0x79: {  	_ =	shalt  }
0x7a: {  	_ =	shalt  }
0x7b: {  	_ =	shalt  }
0x7c: {  	_ =	shalt  }
0x7d: {  	_ =	shalt  }
0x7e: {  	_ =	shalt  }
0x7f: {  	_ =	shalt  }
0x80: {  	_ =	shalt  }
0x81: {  	_ =	shalt  }
0x82: {  	_ =	shalt  }
0x83: {  	_ =	shalt  }
0x84: {  	_ =	shalt  }
0x85: {  	_ =	shalt  }
0x86: {  	_ =	shalt  }
0x87: {  	_ =	shalt  }
.Lfunc_end0:
.L_simem_size_0:
called_computation_lowered:
.L_overlay_start_0:
0x88: {  	s2 =	sld [smem:$0x3FD9]  }
0x89: {  	s3 =	sld [smem:$0x3FFE];
	_ =	sdelay $0x1  }
0x8a: {  	s1 =	srdreg.scid  }
0x8b: {  	s0 =	sand.u32 $0x1, s1  }
0x8c: {  	s17 =	sshll.u32 s0, $0xA;
	s2 =	sadd.s32 s3, s2  }
0x8d: {  	s2 =	sadd.s32 s2, s17  }
0x8e: {  	[smem:$0x3FC4] =	sst s2  }
0x8f: {  	_ = 	snop  }
0x90: {  	s2 =	sld [smem:$0x3FC7]  }
0x91: {  	s18 =	sld [smem:$0x3FD0];
	(tm) =	ssettm $0x1  }
0x92: {  	s4 =	sld [smem:$0x3FFB];
	_ =	sdelay $0x3  }
0x93: {  	_ =	strace s4  }
0x94: {  	s4 =	sld [smem:$0x3FFC];
	_ =	sdelay $0x3  }
0x95: {  	_ =	strace s4  }
0x96: {  	s4 =	sld [smem:$0x3FFD];
	_ =	sdelay $0x3  }
0x97: {  	_ =	strace s4  }
0x98: {  	_ =	strace $0x8FFFFFFF  }
0x99: {  	s19 =	sld [smem:$0x3FDB];
	_ =	sdelay $0x1  }
0x9a: {  	s5 =	simm.s32 $_scs_section_size  }
0x9b: {  	s6 =	simm.s32 $_size__tile_overlayer_lowered;
	s7 =	simm.s32 $_tile_overlayer_lowered  }
0x9c: {  	s22 =	simm.s32 $0x1BFF;
	s21 =	sshll.u32 s7, $0x1;
	s4 =	sadd.s32 s5, s19  }
0x9d: {  	s8 =	simm.s32 $0x0;
	s20 =	sshll.u32 s6, $0x1;
	s6 =	sadd.s32 s21, s4  }
0x9e: {  	[timem:s8], [sflag:s22] =	dma.local [hbm:s6], s20  }
0x9f: {  	_ =	swait.ge [sflag:s22], s20  }
0xa0: {  	s5 =	ssub.s32 $0x0, s20;
	[sflag:s22] =	ssyncset.done $0x0  }
0xa1: {  	[sflag:s22] =	ssyncadd.s32 s5;
	_ =	sdelay $0x1  }
0xa2: {  	s23 =	simm.s32 $0x1B8B  }
0xa3: {  	_ =	swait.ge [sflag:s23], $0x1  }
0xa4: {  	[sflag:s23] =	ssyncset.done $0x0  }
0xa5: {  	s25 =	simm.s32 $0x1B8E;
	s24 =	sld [smem:$0x3FFE];
	[sflag:s23] =	ssyncadd.s32 $0xFFFFFFFF  }
0xa6: {  	s26 =	simm.s32 $execute0_lowered;
	[smem:$0x3FD2] =	sst s25  }
0xa7: {  	s6 =	sshll.u32 s26, $0x1;
	_ =	strace $0x80000046;
	[dreg:$0x1] =	wrdreg $0xFFFFFFFF  }
0xa8: {  	s28 =	simm.s32 $_size_execute0_lowered;
	s4 =	sadd.s32 s4, s6;
	[dreg:$0x0] =	wrdreg $0x0  }
0xa9: {  	s6 =	sshll.u32 s28, $0x1;
	[dreg:$0x2] =	wrdreg s4  }
0xaa: {  	[dreg:$0x3] =	wrdreg s6  }
0xab: {  	[dreg:$0x4] =	wrdreg $0xC0  }
0xac: {  	_ =	task [dreg:s8], $0x5FFFF  }
0xad: {  	[dreg:$0x1] =	wrdreg $0xFFFFFFFF  }
0xae: {  	[dreg:$0x0] =	wrdreg $0x60  }
0xaf: {  	[dreg:$0x2] =	wrdreg s24  }
0xb0: {  	[dreg:$0x3] =	wrdreg s2  }
0xb1: {  	[dreg:$0x4] =	wrdreg s18  }
0xb2: {  	[dreg:$0x5] =	wrdreg $0x9  }
0xb3: {  	_ =	task.clear_ibuf [dreg:s8], $0x6FFFF;
	_ =	strace $0x90000046  }
0xb4: {  	s29 =	simm.s32 $0x9;
	_ =	strace $0x80000048  }
0xb5: {  	_ =	swait.ge [sflag:s29], $0x1  }
0xb6: {  	[sflag:s29] =	ssyncadd.s32 $0xFFFFFFFF  }
0xb7: {  	_ =	strace $0x90000048  }
0xb8: {  	_ =	sfence  }
0xb9: {  	s30 =	sld [smem:$0x0];
	_ =	sdelay $0x2  }
0xba: {  	s31 =	sshll.u32 s1, $0xD;
	s1 =	sshrl.u32 s1, $0x2  }
0xbb: {  	s3 =	sand.u32 $0x4000, s31;
	s1 =	sadd.s32 s1, s30  }
0xbc: {  	s0 =	sor.u32 s3, s0;
	s1 =	sshll.u32 s1, $0x11  }
0xbd: {  	s0 =	sor.u32 s1, s0  }
0xbe: {  	s0 =	sadd.s32 $0x8F2B, s0  }
0xbf: {  	[sflag:s0] =	ssyncadd.remote.s32 $0x1  }
0xc0: {  	_ =	sfence.sel $0xFFFF  }
0xc1: {  	[dreg:$0x0] =	wrdreg $0xFFFFFFFF;
	(pc) =	sbr.abs _section_cstart, $3  }
0xc2: {  	[dreg:$0x1] =	wrdreg $0xFFFFFFFF  }
0xc3: {  	_ =	task.clear_ibuf [dreg:s8], $0x2FFFF;
	_ =	strace $0x9FFFFFFF  }
0xc4: {  	(tm) =	ssettm $0x7FFFFFFF  }
0xc5: {  	_ =	shalt  }
tec
execute0_lowered:
.L_overlay_start_1:
0x0: {  	(tag) =	ssettag $0x1  }
0x1: {  	s0 =	rddreg [dreg:$0x0];
	s1 =	srdreg.scid  }
0x2: {  	s3 =	stileid.u32;
	s2 =	rddreg [dreg:$0x2]  }
0x3: {  	s19 =	simm.s32 $0x80;
	s10 =	simm.s32 $0x8580;
	s11 =	simm.s32 $0x2900  }
0x4: {  	s12 =	simm.s32 $0x8D80;
	s13 =	simm.s32 $0x2980;
	s20 =	simm.s32 $0x9580  }
0x5: {  	s21 =	simm.s32 $0x2A00;
	s28 =	simm.s32 $0x2B80;
	s29 =	simm.s32 $0xB580  }
0x6: {  	s30 =	simm.s32 $0x2C00;
	s31 =	simm.s32 $0xBD80;
	s14 =	simm.s32 $0xCD80  }
0x7: {  	s15 =	simm.s32 $0xD580;
	s16 =	simm.s32 $0xD600;
	s17 =	simm.s32 $0x1  }
0x8: {  	s18 =	simm.s32 $0x2;
	s1 =	sand.u32 $0x1, s1;
	s4 =	sshll.u32 s3, $0x1  }
0x9: {  	s3 =	simm.s32 $0x0;
	s5 =	sadd.s32 $0xA51600, s0;
	s8 =	sadd.s32 $0x5400, s0  }
0xa: {  	s22 =	sadd.s32 $0x5200, s0;
	s23 =	sadd.s32 $0x5000, s0;
	[smem:$0x7FF] =	sst s3  }
0xb: {  	s6 =	sor.u32 s1, s4;
	_ =	strace $0x80000047;
	[dreg:$0x4] =	wrdreg s8  }
0xc: {  	s1 =	ssub.s32 $0x2, s1;
	s4 =	smul.u32 $0x1A0, s6;
	[dreg:$0x5] =	wrdreg s22  }
0xd: {  	[dreg:$0x6] =	wrdreg s23;
	s24 =	sshrl.u32 s1, $0x1;
	s26 =	sshll.u32 s6, $0x4  }
0xe: {  	s22 =	simm.s32 $0x9D80;
	s23 =	simm.s32 $0x2A80;
	s8 =	simm.s32 $0x0  }
0xf: {  	s7 =	sadd.s32 s4, s0;
	s4 =	sadd.s32 $0x4000, s0;
	s0 =	sadd.s32 $0x4E00, s0  }
0x10: {  	[dreg:$0x7] =	wrdreg s0;
	s0 =	ssub.s32 s1, s24;
	s25 =	sadd.s32 $0xC00, s7  }
0x11: {  	s1 =	sadd.s32 s2, s26;
	s7 =	simm.s32 $0x3;
	s24 =	simm.s32 $0xA580  }
0x12: {  	s26 =	simm.s32 $0xAD80;
	s2 =	simm.s32 $0x2D00;
	[dreg:$0x8] =	wrdreg s25  }
0x13: {  	v0 =	vimm.f32 $0.0e+00;
	vm1 =	vcmask $0x2700;
	[dreg:$0x9] =	wrdreg s1;
	s0 =	smax.u32 s0, $0x1;
	s25 =	simm.s32 $0x2B00  }
0x14: {  	vm0 =	vmmov $0x1;
	v1 =	vlaneseq.u32;
	v0 =	vsel vm1, $0x3F800000, v0;
	s1 =	simm.s32 $0x2C80;
	[dreg:$0xa] =	wrdreg s0;
	s0 =	simm.s32 $0xC580  }
.LBB2_1:
0x15: {  	[dreg:$0xb] =	wrdreg s8  }
0x16: {  	s6 =	rddreg [dreg:$0x8]  }
0x17: {  	[tilespmem:s3], [sflag:$0x3] =	stream.linear.gather [hbm4b:s6+s3], $0xD00, $0x38;
	[tilespmem:$0xD710] =	vst v63  }
0x18: {  	_ =	swait.ge [sflag:s7], $0xD00  }
0x19: {  	[sflag:s7] =	ssyncset.done $0x0  }
0x1a: {  	s9 =	simm.s32 $0xD00;
	s8 =	rddreg [dreg:$0x4];
	[sflag:s7] =	ssyncadd.s32 $0xFFFFF300  }
0x1b: {  	[tilespmem:s9], [sflag:$0x3] =	stream.linear.gather [hbm4b:s8+s3], $0xA80, $0x38;
	[tilespmem:$0xD710] =	vst v63  }
0x1c: {  	_ =	swait.ge [sflag:s7], $0xA80  }
0x1d: {  	[sflag:s7] =	ssyncset.done $0x0  }
0x1e: {  	s9 =	simm.s32 $0x1780;
	s8 =	rddreg [dreg:$0x5];
	[sflag:s7] =	ssyncadd.s32 $0xFFFFF580  }
0x1f: {  	[tilespmem:s9], [sflag:$0x3] =	stream.linear.gather [hbm4b:s8+s3], $0xA80, $0x38;
	[tilespmem:$0xD710] =	vst v63  }
0x20: {  	_ =	swait.ge [sflag:s7], $0xA80  }
0x21: {  	[sflag:s7] =	ssyncset.done $0x0  }
0x22: {  	s9 =	simm.s32 $0x2200;
	s8 =	rddreg [dreg:$0x6];
	[sflag:s7] =	ssyncadd.s32 $0xFFFFF580  }
0x23: {  	[tilespmem:s9], [sflag:$0x3] =	stream.linear.gather [hbm4b:s8+s3], $0x80, $0x38;
	[tilespmem:$0xD710] =	vst v63  }
0x24: {  	_ =	swait.ge [sflag:s7], $0x80  }
0x25: {  	[sflag:s7] =	ssyncset.done $0x0  }
0x26: {  	s9 =	simm.s32 $0x2280;
	s8 =	rddreg [dreg:$0x7];
	[sflag:s7] =	ssyncadd.s32 $0xFFFFFF80  }
0x27: {  	[tilespmem:s9], [sflag:$0x3] =	stream.linear.gather [hbm4b:s8+s3], $0x80, $0x38;
	[tilespmem:$0xD710] =	vst v63  }
0x28: {  	_ =	swait.ge [sflag:s7], $0x80  }
0x29: {  	[sflag:s7] =	ssyncset.done $0x0  }
0x2a: {  	[sflag:s7] =	ssyncadd.s32 $0xFFFFFF80  }
0x2b: {  	s9 =	simm.s32 $0xD700;
	s8 =	rddreg [dreg:$0x1]  }
0x2c: {  	[tilespmem:s9], [sflag:$0x3] =	stream.linear.gather [hbm4b:s8+s3], $0x1, $0x38;
	[tilespmem:$0xD710] =	vst v63  }
0x2d: {  	_ =	swait.ge [sflag:s7], $0x1  }
0x2e: {  	[sflag:s7] =	ssyncset.done $0x0  }
0x2f: {  	[sflag:s7] =	ssyncadd.s32 $0xFFFFFFFF  }
0x30: {  	v2 =	vld [tilespmem:$0xD700];
	_ =	sdelay $0x4  }
0x31: {  	v3 =	vimm.f32 $0.0e+00;
	s6 =	simm.s32 $0x0;
	v2 =	vnsel vm0, $0x0, v2  }
.LBB2_2:
0x32: {  	s7 =	simm.s32 $0x0  }
0x33: {  	v5 =	vld [tilespmem:s7+$0xD00];
	_ =	sdelay $0x1  }
0x34: {  	s8 =	smul.u32 $0x68, s6;
	_ =	sdelay $0x1  }
0x35: {  	v4 =	vmov s8  }
0x36: {  	v5 =	vadd.s32 v4, v5;
	_ =	sdelay $0x1  }
0x37: {  	v6 =	vld [tilespmem:s7+$0xD10];
	_ =	sdelay $0x1  }
0x38: {  	v7 =	vld [tilespmem:s7+$0x1780]  }
0x39: {  	v5 =	vld.idx.msk [tilespmem:v5+s3+$0x0], $0xffff;
	_ =	sdelay $0x1  }
0x3a: {  	v6 =	vadd.s32 v4, v6;
	_ =	sdelay $0x2  }
0x3b: {  	v5 =	vadd.s32 v5, v7;
	v7 =	vld [tilespmem:s7+$0xD20]  }
0x3c: {  	[tilespmem:s7+$0x2300] =	vst v5  }
0x3d: {  	v5 =	vld.idx.msk [tilespmem:v6+s3+$0x0], $0xffff  }
0x3e: {  	v6 =	vld [tilespmem:s7+$0x1790];
	_ =	sdelay $0x1  }
0x3f: {  	v7 =	vadd.s32 v4, v7;
	_ =	sdelay $0x2  }
0x40: {  	v5 =	vadd.s32 v5, v6;
	v6 =	vld [tilespmem:s7+$0xD30]  }
0x41: {  	[tilespmem:s7+$0x2310] =	vst v5  }
0x42: {  	v5 =	vld.idx.msk [tilespmem:v7+s3+$0x0], $0xffff  }
0x43: {  	v7 =	vld [tilespmem:s7+$0x17A0];
	_ =	sdelay $0x1  }
0x44: {  	v6 =	vadd.s32 v4, v6;
	_ =	sdelay $0x2  }
0x45: {  	v5 =	vadd.s32 v5, v7;
	v7 =	vld [tilespmem:s7+$0xD40]  }
0x46: {  	[tilespmem:s7+$0x2320] =	vst v5  }
0x47: {  	v5 =	vld.idx.msk [tilespmem:v6+s3+$0x0], $0xffff  }
0x48: {  	v6 =	vld [tilespmem:s7+$0x17B0];
	_ =	sdelay $0x1  }
0x49: {  	v7 =	vadd.s32 v4, v7;
	_ =	sdelay $0x2  }
0x4a: {  	v5 =	vadd.s32 v5, v6;
	v6 =	vld [tilespmem:s7+$0xD50]  }
0x4b: {  	[tilespmem:s7+$0x2330] =	vst v5  }
0x4c: {  	v5 =	vld.idx.msk [tilespmem:v7+s3+$0x0], $0xffff  }
0x4d: {  	v7 =	vld [tilespmem:s7+$0x17C0];
	_ =	sdelay $0x1  }
0x4e: {  	v6 =	vadd.s32 v4, v6;
	_ =	sdelay $0x2  }
0x4f: {  	v5 =	vadd.s32 v5, v7;
	v7 =	vld [tilespmem:s7+$0xD60]  }
0x50: {  	[tilespmem:s7+$0x2340] =	vst v5  }
0x51: {  	v5 =	vld.idx.msk [tilespmem:v6+s3+$0x0], $0xffff  }
0x52: {  	v6 =	vld [tilespmem:s7+$0x17D0];
	_ =	sdelay $0x1  }
0x53: {  	v7 =	vadd.s32 v4, v7;
	_ =	sdelay $0x2  }
0x54: {  	v8 =	vld [tilespmem:s7+$0xD70];
	v5 =	vadd.s32 v5, v6  }
0x55: {  	[tilespmem:s7+$0x2350] =	vst v5  }
0x56: {  	v5 =	vld.idx.msk [tilespmem:v7+s3+$0x0], $0xffff  }
0x57: {  	v7 =	vld [tilespmem:s7+$0x17E0];
	_ =	sdelay $0x1  }
0x58: {  	v6 =	vadd.s32 v4, v8;
	_ =	sdelay $0x1  }
0x59: {  	s9 =	simm.s32 $0x80;
	s8 =	simm.s32 $0x400  }
.LBB2_3:
0x5a: {  	p0 =	sne.s32 s8, $0x2800;
	v8 =	vld [tilespmem:s9+$0xD00];
	v5 =	vadd.s32 v5, v7  }
0x5b: {  	[tilespmem:s7+$0x2360] =	vst v5  }
0x5c: {  	v5 =	vld.idx.msk [tilespmem:v6+s3+$0x0], $0xffff  }
0x5d: {  	v6 =	vld [tilespmem:s7+$0x17F0];
	_ =	sdelay $0x1  }
0x5e: {  	v7 =	vadd.s32 v4, v8;
	_ =	sdelay $0x2  }
0x5f: {  	v8 =	vld [tilespmem:s9+$0xD10];
	v5 =	vadd.s32 v5, v6  }
0x60: {  	[tilespmem:s7+$0x2370] =	vst v5;
	s7 =	smov.u32 s9  }
0x61: {  	v5 =	vld.idx.msk [tilespmem:v7+s3+$0x0], $0xffff  }
0x62: {  	v6 =	vld [tilespmem:s7+$0x1780];
	_ =	sdelay $0x1  }
0x63: {  	v7 =	vadd.s32 v4, v8;
	_ =	sdelay $0x2  }
0x64: {  	v5 =	vadd.s32 v5, v6;
	v6 =	vld [tilespmem:s7+$0xD20]  }
0x65: {  	[tilespmem:s7+$0x2300] =	vst v5  }
0x66: {  	v5 =	vld.idx.msk [tilespmem:v7+s3+$0x0], $0xffff  }
0x67: {  	v7 =	vld [tilespmem:s7+$0x1790];
	_ =	sdelay $0x1  }
0x68: {  	v6 =	vadd.s32 v4, v6;
	_ =	sdelay $0x2  }
0x69: {  	v5 =	vadd.s32 v5, v7;
	v7 =	vld [tilespmem:s7+$0xD30]  }
0x6a: {  	[tilespmem:s7+$0x2310] =	vst v5  }
0x6b: {  	v5 =	vld.idx.msk [tilespmem:v6+s3+$0x0], $0xffff  }
0x6c: {  	v6 =	vld [tilespmem:s7+$0x17A0];
	_ =	sdelay $0x1  }
0x6d: {  	v7 =	vadd.s32 v4, v7;
	_ =	sdelay $0x2  }
0x6e: {  	v5 =	vadd.s32 v5, v6;
	v6 =	vld [tilespmem:s7+$0xD40]  }
0x6f: {  	[tilespmem:s7+$0x2320] =	vst v5  }
0x70: {  	v5 =	vld.idx.msk [tilespmem:v7+s3+$0x0], $0xffff  }
0x71: {  	v7 =	vld [tilespmem:s7+$0x17B0];
	_ =	sdelay $0x1  }
0x72: {  	v6 =	vadd.s32 v4, v6;
	_ =	sdelay $0x2  }
0x73: {  	v5 =	vadd.s32 v5, v7;
	v7 =	vld [tilespmem:s7+$0xD50]  }
0x74: {  	[tilespmem:s7+$0x2330] =	vst v5  }
0x75: {  	v5 =	vld.idx.msk [tilespmem:v6+s3+$0x0], $0xffff  }
0x76: {  	v6 =	vld [tilespmem:s7+$0x17C0];
	_ =	sdelay $0x1  }
0x77: {  	v7 =	vadd.s32 v4, v7;
	_ =	sdelay $0x2  }
0x78: {  	v5 =	vadd.s32 v5, v6;
	v6 =	vld [tilespmem:s7+$0xD60]  }
0x79: {  	[tilespmem:s7+$0x2340] =	vst v5  }
0x7a: {  	v5 =	vld.idx.msk [tilespmem:v7+s3+$0x0], $0xffff  }
0x7b: {  	v7 =	vld [tilespmem:s7+$0x17D0];
	_ =	sdelay $0x1  }
0x7c: {  	v6 =	vadd.s32 v4, v6;
	_ =	sdelay $0x2  }
0x7d: {  	v5 =	vadd.s32 v5, v7;
	v8 =	vld [tilespmem:s7+$0xD70]  }
0x7e: {  	[tilespmem:s7+$0x2350] =	vst v5  }
0x7f: {  	v5 =	vld.idx.msk [tilespmem:v6+s3+$0x0], $0xffff  }
.Ltmp0:
0x80: {  	v7 =	vld [tilespmem:s7+$0x17E0];
	(pc) =	sbr.rel @p0 .LBB2_3-.Ltmp0, $3  }
0x81: {  	_ = 	snop  }
0x82: {  	v6 =	vadd.s32 v4, v8;
	_ =	sdelay $0x1  }
0x83: {  	s9 =	sshra.s32 s8, $0x2;
	s8 =	sadd.s32 $0x200, s8  }
0x84: {  	_ =	sdelay $0x1  }
0x85: {  	v5 =	vadd.s32 v5, v7  }
0x86: {  	v8 =	vld [tilespmem:s9+$0xD00];
	[tilespmem:s7+$0x2360] =	vst v5  }
0x87: {  	v5 =	vld.idx.msk [tilespmem:v6+s3+$0x0], $0xffff  }
0x88: {  	v6 =	vld [tilespmem:s7+$0x17F0];
	_ =	sdelay $0x2  }
0x89: {  	v7 =	vadd.s32 v4, v8;
	_ =	sdelay $0x1  }
0x8a: {  	v8 =	vld [tilespmem:s9+$0xD10];
	v5 =	vadd.s32 v5, v6  }
0x8b: {  	[tilespmem:s7+$0x2370] =	vst v5  }
0x8c: {  	v6 =	vld [tilespmem:s9+$0x1780]  }
0x8d: {  	v5 =	vld.idx.msk [tilespmem:v7+s3+$0x0], $0xffff;
	_ =	sdelay $0x1  }
0x8e: {  	v7 =	vadd.s32 v4, v8;
	_ =	sdelay $0x2  }
0x8f: {  	v5 =	vadd.s32 v5, v6;
	v6 =	vld [tilespmem:s9+$0xD20]  }
0x90: {  	[tilespmem:s9+$0x2300] =	vst v5  }
0x91: {  	v5 =	vld.idx.msk [tilespmem:v7+s3+$0x0], $0xffff  }
0x92: {  	v7 =	vld [tilespmem:s9+$0x1790];
	_ =	sdelay $0x1  }
0x93: {  	v6 =	vadd.s32 v4, v6;
	_ =	sdelay $0x2  }
0x94: {  	v5 =	vadd.s32 v5, v7;
	v7 =	vld [tilespmem:s9+$0xD30]  }
0x95: {  	[tilespmem:s9+$0x2310] =	vst v5  }
0x96: {  	v5 =	vld.idx.msk [tilespmem:v6+s3+$0x0], $0xffff  }
0x97: {  	v6 =	vld [tilespmem:s9+$0x17A0];
	_ =	sdelay $0x1  }
0x98: {  	v7 =	vadd.s32 v4, v7;
	_ =	sdelay $0x2  }
0x99: {  	v5 =	vadd.s32 v5, v6;
	v6 =	vld [tilespmem:s9+$0xD40]  }
0x9a: {  	[tilespmem:s9+$0x2320] =	vst v5  }
0x9b: {  	v5 =	vld.idx.msk [tilespmem:v7+s3+$0x0], $0xffff  }
0x9c: {  	v7 =	vld [tilespmem:s9+$0x17B0];
	_ =	sdelay $0x1  }
0x9d: {  	v6 =	vadd.s32 v4, v6;
	_ =	sdelay $0x2  }
0x9e: {  	v5 =	vadd.s32 v5, v7;
	v7 =	vld [tilespmem:s9+$0xD50]  }
0x9f: {  	[tilespmem:s9+$0x2330] =	vst v5  }
0xa0: {  	v5 =	vld.idx.msk [tilespmem:v6+s3+$0x0], $0xffff  }
0xa1: {  	v6 =	vld [tilespmem:s9+$0x17C0];
	_ =	sdelay $0x1  }
0xa2: {  	v7 =	vadd.s32 v4, v7;
	_ =	sdelay $0x2  }
0xa3: {  	v5 =	vadd.s32 v5, v6;
	v6 =	vld [tilespmem:s9+$0xD60]  }
0xa4: {  	[tilespmem:s9+$0x2340] =	vst v5  }
0xa5: {  	v5 =	vld.idx.msk [tilespmem:v7+s3+$0x0], $0xffff  }
0xa6: {  	v7 =	vld [tilespmem:s9+$0x17D0];
	_ =	sdelay $0x1  }
0xa7: {  	v6 =	vadd.s32 v4, v6;
	_ =	sdelay $0x2  }
0xa8: {  	v5 =	vadd.s32 v5, v7;
	v7 =	vld [tilespmem:s9+$0xD70]  }
0xa9: {  	[tilespmem:s9+$0x2350] =	vst v5  }
0xaa: {  	v5 =	vld.idx.msk [tilespmem:v6+s3+$0x0], $0xffff  }
0xab: {  	v6 =	vld [tilespmem:s9+$0x17E0];
	_ =	sdelay $0x1  }
0xac: {  	v7 =	vadd.s32 v4, v7;
	_ =	sdelay $0x2  }
0xad: {  	v5 =	vadd.s32 v5, v6  }
0xae: {  	v6 =	vld [tilespmem:s9+$0x17F0];
	[tilespmem:s9+$0x2360] =	vst v5  }
0xaf: {  	v5 =	vld.idx.msk [tilespmem:v7+s3+$0x0], $0xffff;
	_ =	sdelay $0x4  }
0xb0: {  	v5 =	vadd.s32 v5, v6  }
0xb1: {  	[tilespmem:s9+$0x2370] =	vst v5  }
0xb2: {  	v5 =	vld [tilespmem:$0x2200];
	_ =	sdelay $0x4  }
0xb3: {  	v5 =	vadd.s32 v4, v5;
	_ =	sdelay $0x1  }
0xb4: {  	v6 =	vld [tilespmem:$0x2210];
	_ =	sdelay $0x1  }
0xb5: {  	s8 =	simm.s32 $0x0;
	v7 =	vld [tilespmem:$0x2280]  }
0xb6: {  	v5 =	vld.idx.msk [tilespmem:v5+s8+$0x0], $0xffff;
	_ =	sdelay $0x1  }
0xb7: {  	v6 =	vadd.s32 v4, v6;
	_ =	sdelay $0x2  }
0xb8: {  	v5 =	vadd.s32 v5, v7;
	v7 =	vld [tilespmem:$0x2220]  }
0xb9: {  	[tilespmem:$0xD580] =	vst v5  }
0xba: {  	v5 =	vld.idx.msk [tilespmem:v6+s8+$0x0], $0xffff  }
0xbb: {  	v6 =	vld [tilespmem:$0x2290];
	_ =	sdelay $0x1  }
0xbc: {  	v7 =	vadd.s32 v4, v7;
	_ =	sdelay $0x2  }
0xbd: {  	v5 =	vadd.s32 v5, v6;
	v6 =	vld [tilespmem:$0x2230]  }
0xbe: {  	[tilespmem:$0xD590] =	vst v5  }
0xbf: {  	v5 =	vld.idx.msk [tilespmem:v7+s8+$0x0], $0xffff  }
0xc0: {  	v7 =	vld [tilespmem:$0x22A0];
	_ =	sdelay $0x1  }
0xc1: {  	v6 =	vadd.s32 v4, v6;
	_ =	sdelay $0x2  }
0xc2: {  	v5 =	vadd.s32 v5, v7;
	v7 =	vld [tilespmem:$0x2240]  }
0xc3: {  	[tilespmem:$0xD5A0] =	vst v5  }
0xc4: {  	v5 =	vld.idx.msk [tilespmem:v6+s8+$0x0], $0xffff  }
0xc5: {  	v6 =	vld [tilespmem:$0x22B0];
	_ =	sdelay $0x1  }
0xc6: {  	v7 =	vadd.s32 v4, v7;
	_ =	sdelay $0x2  }
0xc7: {  	v5 =	vadd.s32 v5, v6;
	v6 =	vld [tilespmem:$0x2250]  }
0xc8: {  	[tilespmem:$0xD5B0] =	vst v5  }
0xc9: {  	v5 =	vld.idx.msk [tilespmem:v7+s8+$0x0], $0xffff  }
0xca: {  	v7 =	vld [tilespmem:$0x22C0];
	_ =	sdelay $0x1  }
0xcb: {  	v6 =	vadd.s32 v4, v6;
	_ =	sdelay $0x2  }
0xcc: {  	v5 =	vadd.s32 v5, v7;
	v7 =	vld [tilespmem:$0x2260]  }
0xcd: {  	[tilespmem:$0xD5C0] =	vst v5  }
0xce: {  	v5 =	vld.idx.msk [tilespmem:v6+s8+$0x0], $0xffff  }
0xcf: {  	v6 =	vld [tilespmem:$0x22D0];
	_ =	sdelay $0x1  }
0xd0: {  	v7 =	vadd.s32 v4, v7;
	_ =	sdelay $0x2  }
0xd1: {  	v5 =	vadd.s32 v5, v6;
	v6 =	vld [tilespmem:$0x2270]  }
0xd2: {  	[tilespmem:$0xD5D0] =	vst v5  }
0xd3: {  	v5 =	vld.idx.msk [tilespmem:v7+s8+$0x0], $0xffff  }
0xd4: {  	v7 =	vld [tilespmem:$0x22E0];
	_ =	sdelay $0x1  }
0xd5: {  	v4 =	vadd.s32 v4, v6;
	_ =	sdelay $0x2  }
0xd6: {  	v5 =	vadd.s32 v5, v7  }
0xd7: {  	[tilespmem:$0xD5E0] =	vst v5;
	v5 =	vld [tilespmem:$0x22F0]  }
0xd8: {  	v4 =	vld.idx.msk [tilespmem:v4+s8+$0x0], $0xffff;
	_ =	sdelay $0x4  }
0xd9: {  	v4 =	vadd.s32 v4, v5  }
0xda: {  	s9 =	simm.s32 $0x2300;
	s8 =	simm.s32 $0x2D80;
	[tilespmem:$0xD5F0] =	vst v4  }
0xdb: {  	[tilespmem:s8], [sflag:$0x1] =	stream.indirect.gather [hbm4b:s5+s19], $0x10, s9, s19, $0xb8;
	[tilespmem:$0xD710] =	vst v63  }
0xdc: {  	s8 =	simm.s32 $0x2380;
	s9 =	simm.s32 $0x3580  }
0xdd: {  	[tilespmem:s9], [sflag:$0x1] =	stream.indirect.gather [hbm4b:s5+s19], $0x10, s8, s19, $0xb8;
	[tilespmem:$0xD710] =	vst v63  }
0xde: {  	s8 =	simm.s32 $0x2400;
	s9 =	simm.s32 $0x3D80  }
0xdf: {  	[tilespmem:s9], [sflag:$0x1] =	stream.indirect.gather [hbm4b:s5+s19], $0x10, s8, s19, $0xb8;
	[tilespmem:$0xD710] =	vst v63  }
0xe0: {  	s8 =	simm.s32 $0x2480;
	s9 =	simm.s32 $0x4580  }
0xe1: {  	[tilespmem:s9], [sflag:$0x1] =	stream.indirect.gather [hbm4b:s5+s19], $0x10, s8, s19, $0xb8;
	[tilespmem:$0xD710] =	vst v63  }
0xe2: {  	s8 =	simm.s32 $0x2500;
	s9 =	simm.s32 $0x4D80  }
0xe3: {  	[tilespmem:s9], [sflag:$0x1] =	stream.indirect.gather [hbm4b:s5+s19], $0x10, s8, s19, $0xb8;
	[tilespmem:$0xD710] =	vst v63  }
0xe4: {  	s8 =	simm.s32 $0x2580;
	s9 =	simm.s32 $0x5580  }
0xe5: {  	[tilespmem:s9], [sflag:$0x1] =	stream.indirect.gather [hbm4b:s5+s19], $0x10, s8, s19, $0xb8;
	[tilespmem:$0xD710] =	vst v63  }
0xe6: {  	s8 =	simm.s32 $0x2600;
	s9 =	simm.s32 $0x5D80  }
0xe7: {  	[tilespmem:s9], [sflag:$0x1] =	stream.indirect.gather [hbm4b:s5+s19], $0x10, s8, s19, $0xb8;
	[tilespmem:$0xD710] =	vst v63  }
0xe8: {  	s8 =	simm.s32 $0x2680;
	s9 =	simm.s32 $0x6580  }
0xe9: {  	[tilespmem:s9], [sflag:$0x1] =	stream.indirect.gather [hbm4b:s5+s19], $0x10, s8, s19, $0xb8;
	[tilespmem:$0xD710] =	vst v63  }
0xea: {  	s8 =	simm.s32 $0x2700;
	s9 =	simm.s32 $0x6D80  }
0xeb: {  	[tilespmem:s9], [sflag:$0x1] =	stream.indirect.gather [hbm4b:s5+s19], $0x10, s8, s19, $0xb8;
	[tilespmem:$0xD710] =	vst v63  }
0xec: {  	s8 =	simm.s32 $0x2780;
	s9 =	simm.s32 $0x7580  }
0xed: {  	[tilespmem:s9], [sflag:$0x1] =	stream.indirect.gather [hbm4b:s5+s19], $0x10, s8, s19, $0xb8;
	[tilespmem:$0xD710] =	vst v63  }
0xee: {  	s8 =	simm.s32 $0x2800;
	s9 =	simm.s32 $0x7D80  }
0xef: {  	[tilespmem:s9], [sflag:$0x1] =	stream.indirect.gather [hbm4b:s5+s19], $0x10, s8, s19, $0xb8;
	[tilespmem:$0xD710] =	vst v63  }
0xf0: {  	s8 =	simm.s32 $0x2880  }
0xf1: {  	[tilespmem:s10], [sflag:$0x1] =	stream.indirect.gather [hbm4b:s5+s19], $0x10, s8, s19, $0xb8;
	[tilespmem:$0xD710] =	vst v63  }
0xf2: {  	_ = 	snop  }
0xf3: {  	[tilespmem:s12], [sflag:$0x1] =	stream.indirect.gather [hbm4b:s5+s19], $0x10, s11, s19, $0xb8;
	[tilespmem:$0xD710] =	vst v63  }
0xf4: {  	_ = 	snop  }
0xf5: {  	[tilespmem:s20], [sflag:$0x1] =	stream.indirect.gather [hbm4b:s5+s19], $0x10, s13, s19, $0xb8;
	[tilespmem:$0xD710] =	vst v63  }
0xf6: {  	_ = 	snop  }
0xf7: {  	[tilespmem:s22], [sflag:$0x1] =	stream.indirect.gather [hbm4b:s5+s19], $0x10, s21, s19, $0xb8;
	[tilespmem:$0xD710] =	vst v63  }
0xf8: {  	_ = 	snop  }
0xf9: {  	[tilespmem:s24], [sflag:$0x1] =	stream.indirect.gather [hbm4b:s5+s19], $0x10, s23, s19, $0xb8;
	[tilespmem:$0xD710] =	vst v63  }
0xfa: {  	_ = 	snop  }
0xfb: {  	[tilespmem:s26], [sflag:$0x1] =	stream.indirect.gather [hbm4b:s5+s19], $0x10, s25, s19, $0xb8;
	[tilespmem:$0xD710] =	vst v63  }
0xfc: {  	_ = 	snop  }
0xfd: {  	[tilespmem:s29], [sflag:$0x1] =	stream.indirect.gather [hbm4b:s5+s19], $0x10, s28, s19, $0xb8;
	[tilespmem:$0xD710] =	vst v63  }
0xfe: {  	_ = 	snop  }
0xff: {  	[tilespmem:s31], [sflag:$0x1] =	stream.indirect.gather [hbm4b:s5+s19], $0x10, s30, s19, $0xb8;
	[tilespmem:$0xD710] =	vst v63  }
0x100: {  	_ = 	snop  }
0x101: {  	[tilespmem:s0], [sflag:$0x1] =	stream.indirect.gather [hbm4b:s5+s19], $0x10, s1, s19, $0xb8;
	[tilespmem:$0xD710] =	vst v63  }
0x102: {  	_ = 	snop  }
0x103: {  	[tilespmem:s14], [sflag:$0x1] =	stream.indirect.gather [hbm4b:s5+s19], $0x10, s2, s19, $0xb8;
	[tilespmem:$0xD710] =	vst v63  }
0x104: {  	_ = 	snop  }
0x105: {  	[tilespmem:s16], [sflag:$0x2] =	stream.indirect.gather [hbm4b:s4+s19], $0x1, s15, s19, $0xb8;
	[tilespmem:$0xD710] =	vst v63  }
0x106: {  	_ =	swait.ge [sflag:s17], $0x800  }
0x107: {  	[sflag:s17] =	ssyncset.done $0x0  }
0x108: {  	[sflag:s17] =	ssyncadd.s32 $0xFFFFF800  }
0x109: {  	_ =	swait.ge [sflag:s17], $0x800  }
0x10a: {  	[sflag:s17] =	ssyncset.done $0x0  }
0x10b: {  	[sflag:s17] =	ssyncadd.s32 $0xFFFFF800  }
0x10c: {  	_ =	swait.ge [sflag:s17], $0x800  }
0x10d: {  	[sflag:s17] =	ssyncset.done $0x0  }
0x10e: {  	[sflag:s17] =	ssyncadd.s32 $0xFFFFF800  }
0x10f: {  	_ =	swait.ge [sflag:s17], $0x800  }
0x110: {  	[sflag:s17] =	ssyncset.done $0x0  }
0x111: {  	[sflag:s17] =	ssyncadd.s32 $0xFFFFF800  }
0x112: {  	_ =	swait.ge [sflag:s17], $0x800  }
0x113: {  	[sflag:s17] =	ssyncset.done $0x0  }
0x114: {  	[sflag:s17] =	ssyncadd.s32 $0xFFFFF800  }
0x115: {  	_ =	swait.ge [sflag:s17], $0x800  }
0x116: {  	[sflag:s17] =	ssyncset.done $0x0  }
0x117: {  	[sflag:s17] =	ssyncadd.s32 $0xFFFFF800  }
0x118: {  	_ =	swait.ge [sflag:s17], $0x800  }
0x119: {  	[sflag:s17] =	ssyncset.done $0x0  }
0x11a: {  	[sflag:s17] =	ssyncadd.s32 $0xFFFFF800  }
0x11b: {  	_ =	swait.ge [sflag:s17], $0x800  }
0x11c: {  	[sflag:s17] =	ssyncset.done $0x0  }
0x11d: {  	[sflag:s17] =	ssyncadd.s32 $0xFFFFF800  }
0x11e: {  	_ =	swait.ge [sflag:s17], $0x800  }
0x11f: {  	[sflag:s17] =	ssyncset.done $0x0  }
0x120: {  	[sflag:s17] =	ssyncadd.s32 $0xFFFFF800  }
0x121: {  	_ =	swait.ge [sflag:s17], $0x800  }
0x122: {  	[sflag:s17] =	ssyncset.done $0x0  }
0x123: {  	[sflag:s17] =	ssyncadd.s32 $0xFFFFF800  }
0x124: {  	_ =	swait.ge [sflag:s17], $0x800  }
0x125: {  	[sflag:s17] =	ssyncset.done $0x0  }
0x126: {  	[sflag:s17] =	ssyncadd.s32 $0xFFFFF800  }
0x127: {  	_ =	swait.ge [sflag:s17], $0x800  }
0x128: {  	[sflag:s17] =	ssyncset.done $0x0  }
0x129: {  	[sflag:s17] =	ssyncadd.s32 $0xFFFFF800  }
0x12a: {  	_ =	swait.ge [sflag:s17], $0x800  }
0x12b: {  	[sflag:s17] =	ssyncset.done $0x0  }
0x12c: {  	[sflag:s17] =	ssyncadd.s32 $0xFFFFF800  }
0x12d: {  	_ =	swait.ge [sflag:s17], $0x800  }
0x12e: {  	[sflag:s17] =	ssyncset.done $0x0  }
0x12f: {  	[sflag:s17] =	ssyncadd.s32 $0xFFFFF800  }
0x130: {  	_ =	swait.ge [sflag:s17], $0x800  }
0x131: {  	[sflag:s17] =	ssyncset.done $0x0  }
0x132: {  	[sflag:s17] =	ssyncadd.s32 $0xFFFFF800  }
0x133: {  	_ =	swait.ge [sflag:s17], $0x800  }
0x134: {  	[sflag:s17] =	ssyncset.done $0x0  }
0x135: {  	[sflag:s17] =	ssyncadd.s32 $0xFFFFF800  }
0x136: {  	_ =	swait.ge [sflag:s17], $0x800  }
0x137: {  	[sflag:s17] =	ssyncset.done $0x0  }
0x138: {  	[sflag:s17] =	ssyncadd.s32 $0xFFFFF800  }
0x139: {  	_ =	swait.ge [sflag:s17], $0x800  }
0x13a: {  	[sflag:s17] =	ssyncset.done $0x0  }
0x13b: {  	[sflag:s17] =	ssyncadd.s32 $0xFFFFF800  }
0x13c: {  	_ =	swait.ge [sflag:s17], $0x800  }
0x13d: {  	[sflag:s17] =	ssyncset.done $0x0  }
0x13e: {  	[sflag:s17] =	ssyncadd.s32 $0xFFFFF800  }
0x13f: {  	_ =	swait.ge [sflag:s17], $0x800  }
0x140: {  	[sflag:s17] =	ssyncset.done $0x0  }
0x141: {  	[sflag:s17] =	ssyncadd.s32 $0xFFFFF800  }
0x142: {  	_ =	swait.ge [sflag:s17], $0x800  }
0x143: {  	[sflag:s17] =	ssyncset.done $0x0  }
0x144: {  	[sflag:s17] =	ssyncadd.s32 $0xFFFFF800  }
0x145: {  	_ =	swait.ge [sflag:s18], $0x80  }
0x146: {  	[sflag:s18] =	ssyncset.done $0x0  }
0x147: {  	s9 =	simm.s32 $0x0;
	[sflag:s18] =	ssyncadd.s32 $0xFFFFFF80  }
0x148: {  	v4 =	vld [tilespmem:s9+$0xA760]  }
0x149: {  	v5 =	vld [tilespmem:s9+$0xA770]  }
0x14a: {  	v7 =	vld [tilespmem:s9+$0x2D80]  }
0x14b: {  	v10 =	vld [tilespmem:s9+$0x2D90];
	_ =	sdelay $0x1  }
0x14c: {  	v9 =	vld [tilespmem:s9+$0x5620]  }
0x14d: {  	v12 =	vld [tilespmem:s9+$0x5630]  }
0x14e: {  	v6 =	vld [tilespmem:s9+$0x7EC0];
	v4 =	vmul.f32 v5, v4  }
0x14f: {  	s7 =	simm.s32 $0x20;
	v8 =	vimm.f32 $0.0e+00;
	v11 =	vld [tilespmem:s9+$0x7ED0];
	v13 =	vmul.f32 v10, v7  }
0x150: {  	s8 =	simm.s32 $0x100;
	v5 =	vld [tilespmem:s7+$0xA760];
	v10 =	vimm.f32 $0.0e+00;
	v7 =	vimm.f32 $0.0e+00;
	v4 =	vadd.f32 v4, v8  }
.LBB2_5:
0x151: {  	p0 =	sne.s32 s8, $0xA200;
	v14 =	vld [tilespmem:s7+$0xA770]  }
0x152: {  	v15 =	vld [tilespmem:s7+$0x2D80];
	v8 =	vadd.f32 v13, v8;
	v12 =	vmul.f32 v12, v9  }
0x153: {  	v13 =	vld [tilespmem:s7+$0x2D90]  }
.Ltmp1:
0x154: {  	v9 =	vld [tilespmem:s7+$0x5620];
	v10 =	vadd.f32 v12, v10;
	v11 =	vmul.f32 v11, v6;
	(pc) =	sbr.rel @p0 .LBB2_5-.Ltmp1, $4  }
0x155: {  	v12 =	vld [tilespmem:s7+$0x5630]  }
0x156: {  	v6 =	vld [tilespmem:s7+$0x7EC0];
	v14 =	vmul.f32 v14, v5;
	v7 =	vadd.f32 v11, v7  }
0x157: {  	v11 =	vld [tilespmem:s7+$0x7ED0];
	s7 =	sshra.s32 s8, $0x2  }
0x158: {  	s8 =	sadd.s32 $0x80, s8;
	v5 =	vld [tilespmem:s7+$0xA760];
	v13 =	vmul.f32 v13, v15;
	v4 =	vadd.f32 v14, v4  }
0x159: {  	v14 =	vld [tilespmem:s7+$0xA770]  }
0x15a: {  	v15 =	vld [tilespmem:s7+$0x2D80]  }
0x15b: {  	v16 =	vld [tilespmem:s7+$0x2D90]  }
0x15c: {  	v17 =	vld [tilespmem:s7+$0x5620]  }
0x15d: {  	v18 =	vld [tilespmem:s7+$0x5630]  }
0x15e: {  	v19 =	vld [tilespmem:s7+$0x7EC0]  }
0x15f: {  	v20 =	vld [tilespmem:s7+$0x7ED0]  }
0x160: {  	v21 =	vld [tilespmem:$0xD600]  }
0x161: {  	v22 =	vld [tilespmem:$0xD610]  }
0x162: {  	v23 =	vld [tilespmem:$0xD620]  }
0x163: {  	v47 =	vld [tilespmem:$0xD630];
	v9 =	vmul.f32 v12, v9  }
0x164: {  	v49 =	vld [tilespmem:$0xD640];
	v8 =	vadd.f32 v13, v8;
	v48 =	vmul.f32 v16, v15  }
0x165: {  	v51 =	vld [tilespmem:$0xD650];
	v9 =	vadd.f32 v9, v10;
	v6 =	vmul.f32 v11, v6;
	v50 =	vmul.f32 v18, v17  }
0x166: {  	v52 =	vld [tilespmem:$0xD660];
	v8 =	vadd.f32 v48, v8  }
0x167: {  	v55 =	vld [tilespmem:$0xD670];
	v6 =	vadd.f32 v6, v7;
	v54 =	vmul.f32 v20, v19;
	v53 =	vadd.f32 v50, v9  }
0x168: {  	v5 =	vmul.f32 v14, v5;
	v56 =	vmul.f32 v0, v22;
	v8 =	vadd.f32 v21, v8  }
0x169: {  	v57 =	vmul.f32 v0, v47;
	v6 =	vadd.f32 v54, v6;
	v7 =	vadd.f32 v23, v53  }
0x16a: {  	v4 =	vadd.f32 v5, v4;
	v5 =	vadd.f32 v56, v8  }
0x16b: {  	v58 =	vmul.f32 v0, v51;
	v6 =	vadd.f32 v49, v6;
	v7 =	vadd.f32 v57, v7  }
0x16c: {  	v59 =	vmul.f32 v0, v55;
	v4 =	vadd.f32 v52, v4;
	v5 =	vadd.f32 v5, v2  }
0x16d: {  	v6 =	vadd.f32 v58, v6;
	v7 =	vadd.f32 v7, v2  }
0x16e: {  	v4 =	vadd.f32 v59, v4;
	(xrf2) =	vadd.scan.msk.f32 $0xffff, v5  }
0x16f: {  	v5 =	vadd.f32 v6, v2;
	(xrf2) =	vadd.scan.msk.f32 $0xffff, v7  }
0x170: {  	v4 =	vadd.f32 v4, v2  }
0x171: {  	(xrf2) =	vadd.scan.msk.f32 $0xffff, v5  }
0x172: {  	(xrf2) =	vadd.scan.msk.f32 $0xffff, v4;
	_ =	sdelay $0x4  }
0x173: {  	s7 =	sand.u32 $0x3, s6  }
0x174: {  	s8 =	sshll.u32 s7, $0x2;
	v4, _, _ =	vpop (xrf2)  }
0x175: {  	p0 =	sne.s32 s7, $0x3;
	v60 =	vmov s8;
	s9 =	sor.u32 $0x1, s8;
	v5, _, _ =	vpop (xrf2);
	v4 =	vbroadcast v4, $0xF  }
0x176: {  	vm1 =	veq.s32 v60, v1;
	v61 =	vmov s9;
	s9 =	sshllo.u32 s7, $0x2;
	s7 =	sshll.u32 @!p0 s6, $0x2;
	s6 =	sadd.s32 $0x1, s6;
	v5 =	vbroadcast v5, $0xF  }
0x177: {  	s8 =	sor.u32 $0x2, s8;
	p1 =	sne.s32 s6, $0x20;
	v62, _, _ =	vpop (xrf2);
	v3 =	vsel vm1, v4, v3;
	vm1 =	veq.s32 v61, v1  }
.Ltmp2:
0x178: {  	v4 =	vmov s8;
	v63, _, _ =	vpop (xrf2);
	v3 =	vsel vm1, v5, v3;
	v5 =	vbroadcast v62, $0xF;
	(pc) =	sbr.rel @p1 .LBB2_2-.Ltmp2, $4  }
0x179: {  	vm1 =	veq.s32 v4, v1;
	v4 =	vmov s9;
	v6 =	vbroadcast v63, $0xF  }
0x17a: {  	v3 =	vsel vm1, v5, v3;
	vm1 =	veq.s32 v4, v1  }
0x17b: {  	s7 =	sand.u32 @!p0 $0x70, s7;
	v3 =	vsel vm1, v6, v3  }
0x17c: {  	[tilespmem:s7+$0xD680] =	vst @!p0 v3;
	v3 =	vpsel !p0, $0x0, v3  }
0x17d: {  	v2 =	vld [tilespmem:$0xD680];
	_ =	sdelay $0x4  }
0x17e: {  	v2 =	vsub.f32 $0.0e+00, v2;
	_ =	sdelay $0x1  }
0x17f: {  	v2 =	vmul.f32 $1.442695020e+00, v2;
	_ =	sdelay $0x1  }
0x180: {  	(erf) = vpow2.f32 v2;
	_ =	sdelay $0x3  }
0x181: {  	v2 =	vld [tilespmem:$0xD690];
	_ =	sdelay $0x4  }
0x182: {  	v2 =	vsub.f32 $0.0e+00, v2;
	v3 =	vpop (erf)  }
0x183: {  	v3 =	vadd.f32 $1.000000000e+00, v3  }
0x184: {  	v2 =	vmul.f32 $1.442695020e+00, v2  }
0x185: {  	(erf) = vrcp.f32 v3  }
0x186: {  	(erf) = vpow2.f32 v2;
	_ =	sdelay $0x3  }
0x187: {  	v2 =	vld [tilespmem:$0xD6A0];
	_ =	sdelay $0x3  }
0x188: {  	v3 =	vpop (erf)  }
0x189: {  	v2 =	vsub.f32 $0.0e+00, v2;
	v4 =	vpop (erf)  }
0x18a: {  	v4 =	vadd.f32 $1.000000000e+00, v4  }
0x18b: {  	v2 =	vmul.f32 $1.442695020e+00, v2  }
0x18c: {  	(erf) = vrcp.f32 v4  }
0x18d: {  	(erf) = vpow2.f32 v2;
	_ =	sdelay $0x3  }
0x18e: {  	v2 =	vld [tilespmem:$0xD6B0];
	_ =	sdelay $0x3  }
0x18f: {  	v4 =	vpop (erf)  }
0x190: {  	v2 =	vsub.f32 $0.0e+00, v2;
	v5 =	vpop (erf)  }
0x191: {  	v5 =	vadd.f32 $1.000000000e+00, v5  }
0x192: {  	v2 =	vmul.f32 $1.442695020e+00, v2  }
0x193: {  	(erf) = vrcp.f32 v5  }
0x194: {  	(erf) = vpow2.f32 v2;
	_ =	sdelay $0x3  }
0x195: {  	v2 =	vld [tilespmem:$0xD6C0];
	_ =	sdelay $0x3  }
0x196: {  	v5 =	vpop (erf)  }
0x197: {  	v2 =	vsub.f32 $0.0e+00, v2;
	v6 =	vpop (erf)  }
0x198: {  	v6 =	vadd.f32 $1.000000000e+00, v6  }
0x199: {  	v2 =	vmul.f32 $1.442695020e+00, v2  }
0x19a: {  	(erf) = vrcp.f32 v6  }
0x19b: {  	(erf) = vpow2.f32 v2;
	_ =	sdelay $0x3  }
0x19c: {  	v2 =	vld [tilespmem:$0xD6D0];
	_ =	sdelay $0x3  }
0x19d: {  	v6 =	vpop (erf)  }
0x19e: {  	v2 =	vsub.f32 $0.0e+00, v2;
	v7 =	vpop (erf)  }
0x19f: {  	v7 =	vadd.f32 $1.000000000e+00, v7  }
0x1a0: {  	v2 =	vmul.f32 $1.442695020e+00, v2  }
0x1a1: {  	(erf) = vrcp.f32 v7  }
0x1a2: {  	(erf) = vpow2.f32 v2;
	_ =	sdelay $0x3  }
0x1a3: {  	v2 =	vld [tilespmem:$0xD6E0];
	_ =	sdelay $0x3  }
0x1a4: {  	v7 =	vpop (erf)  }
0x1a5: {  	v2 =	vsub.f32 $0.0e+00, v2;
	v8 =	vpop (erf)  }
0x1a6: {  	v8 =	vadd.f32 $1.000000000e+00, v8  }
0x1a7: {  	v2 =	vmul.f32 $1.442695020e+00, v2  }
0x1a8: {  	(erf) = vrcp.f32 v8  }
0x1a9: {  	(erf) = vpow2.f32 v2;
	_ =	sdelay $0x3  }
0x1aa: {  	v2 =	vld [tilespmem:$0xD6F0];
	_ =	sdelay $0x3  }
0x1ab: {  	v8 =	vpop (erf)  }
0x1ac: {  	v2 =	vsub.f32 $0.0e+00, v2;
	v9 =	vpop (erf)  }
0x1ad: {  	v9 =	vadd.f32 $1.000000000e+00, v9  }
0x1ae: {  	v2 =	vmul.f32 $1.442695020e+00, v2  }
0x1af: {  	(erf) = vrcp.f32 v9  }
0x1b0: {  	(erf) = vpow2.f32 v2;
	_ =	sdelay $0x7  }
0x1b1: {  	v2 =	vpop (erf)  }
0x1b2: {  	v63 =	vpop (erf)  }
0x1b3: {  	v9 =	vadd.f32 $1.000000000e+00, v63;
	_ =	sdelay $0x1  }
0x1b4: {  	(erf) = vrcp.f32 v9;
	_ =	sdelay $0x2  }
0x1b5: {  	[tilespmem:$0xD680] =	vst v3  }
0x1b6: {  	[tilespmem:$0xD690] =	vst v4  }
0x1b7: {  	[tilespmem:$0xD6A0] =	vst v5  }
0x1b8: {  	[tilespmem:$0xD6B0] =	vst v6  }
0x1b9: {  	[tilespmem:$0xD6C0] =	vst v7  }
0x1ba: {  	[tilespmem:$0xD6D0] =	vst v8  }
0x1bb: {  	[tilespmem:$0xD6E0] =	vst v2;
	v2 =	vpop (erf)  }
0x1bc: {  	s6 =	rddreg [dreg:$0x9];
	s7 =	simm.s32 $0xD680;
	[tilespmem:$0xD6F0] =	vst v2  }
0x1bd: {  	[hbm4b:s6+s3] =	stream.linear.scatter [tilespmem:s7], [sflag:$0x3], $0x80, $0x38;
	[tilespmem:$0xD710] =	vst v63  }
0x1be: {  	s7 =	simm.s32 $0x3  }
0x1bf: {  	_ =	swait.ge [sflag:s7], $0x80  }
0x1c0: {  	s8 =	rddreg [dreg:$0xb]  }
0x1c1: {  	s9 =	rddreg [dreg:$0xa];
	s8 =	sadd.s32 $0x1, s8  }
0x1c2: {  	p0 =	sne.s32 s8, s9  }
.Ltmp3:
0x1c3: {  	_ = 	snop;
	(pc) =	sbr.rel @p0 .LBB2_1-.Ltmp3, $3  }
0x1c4: {  	_ =	sdelay $0x1  }
0x1c5: {  	[sflag:s7] =	ssyncset.done $0x0  }
0x1c6: {  	[sflag:s7] =	ssyncadd.s32 $0xFFFFFF80  }
0x1c7: {  	_ =	sfence.sel $0x180000  }
0x1c8: {  	[bflag:$0x0] =	sbarrier.arrive $0xFFFF  }
0x1c9: {  	_ =	strace $0x90000047  }
0x1ca: {  	s0 =	stileid.u32;
	[bflag:$0x2] =	sbarrier.arrive $0xFFFF  }
0x1cb: {  	p0 =	sne.s32 s0, $0x0;
	s0 =	rddreg [dreg:$0x3]  }
0x1cc: {  	s0 =	sadd.s32 @!p0 $0x100000, s0  }
0x1cd: {  	[sflag:s0] =	ssyncadd.tile.s32 @!p0 $0x1;
	_ =	shalt  }
.Lfunc_end2:
_tile_overlayer_lowered:
.L_overlay_start_2:
0x1ce: {  	(tag) =	ssettag $0x2  }
0x1cf: {  	s0 =	rddreg [dreg:$0x0];
	s2 =	stileid.u32  }
0x1d0: {  	s1 =	rddreg [dreg:$0x1];
	p0 =	sne.s32 s2, $0x0  }
0x1d1: {  	s3 =	rddreg [dreg:$0x2];
	[bflag:$0x3] =	sbarrier.arrive $0xFFFF;
	s2 =	simm.s32 @!p0 $0x1C03  }
0x1d2: {  	[timem:s3], [sflag:s2] =	dma.local @!p0 [hbm:s0], s1  }
0x1d3: {  	s0 =	simm.s32 @!p0 $0x3  }
0x1d4: {  	_ =	swait.ge @!p0 [sflag:s0], s1  }
0x1d5: {  	s1 =	ssub.s32 @!p0 $0x0, s1;
	[sflag:s0] =	ssyncset.done @!p0 $0x0  }
0x1d6: {  	[sflag:s0] =	ssyncadd.s32 @!p0 s1  }
0x1d7: {  	[bflag:$0x3] =	sbarrier.arrive $0xFFFF  }
0x1d8: {  	_ =	shalt  }

</sc_bundles>
